<compile_context>
chip_gen: v7x
topology: tpu7x:2x2x1
jax: 0.10.2.dev20260603
libtpu: 0.0.44.dev20260713+nightly
codegen_flags: <defaults>
</compile_context>

<pallas_src>
import jax
import jax.numpy as jnp
from jax import lax
from jax.experimental import pallas as pl
from jax.experimental.pallas import tpu as pltpu
from jax.experimental.pallas import tpu_sc as plsc

E = 8
S = 2048
DIN = 1024
DOUT = 1024
TB = 256
RB = 128
NBLK = 40
NPAD = NBLK * RB
NBLK_PAD = 48
NSLOT = 2 * S
NW = 32
RPW = NPAD // NW
GCH = 40
NCH = RPW // GCH
PCH = 1024


def _gate_body(x_ref, gw_ref, gb_ref, sel_ref, blk_ref, rt_ref, rw_ref):
    x = x_ref[:]
    logits = jnp.dot(x, gw_ref[:].T,
                     preferred_element_type=jnp.float32) + gb_ref[:][None, :]
    z = logits - jnp.max(logits, axis=0, keepdims=True)
    ez = jnp.exp(z)
    p = ez / jnp.sum(ez, axis=0, keepdims=True)
    cols = lax.broadcasted_iota(jnp.int32, (S, E), 1)
    m1 = jnp.argmax(p, axis=1).astype(jnp.int32)
    p2 = jnp.where(cols == m1[:, None], -1.0, p)
    m2 = jnp.argmax(p2, axis=1).astype(jnp.int32)
    A1 = (cols == m1[:, None]).astype(jnp.float32)
    A2 = (cols == m2[:, None]).astype(jnp.float32)
    sel_ref[:] = A1 + A2
    v1 = jnp.max(p, axis=1)
    v2 = jnp.max(p2, axis=1)

    A = A1 + A2
    rr = lax.broadcasted_iota(jnp.int32, (S, S), 0)
    cc = lax.broadcasted_iota(jnp.int32, (S, S), 1)
    Tstrict = (cc < rr).astype(jnp.float32)
    C = jnp.dot(Tstrict, A, preferred_element_type=jnp.float32)
    counts = jnp.sum(A, axis=0, keepdims=True)
    nb = jnp.floor((counts + (RB - 1.0)) * (1.0 / RB))
    e_r = lax.broadcasted_iota(jnp.int32, (E, E), 0)
    e_c = lax.broadcasted_iota(jnp.int32, (E, E), 1)
    T8 = (e_r <= e_c).astype(jnp.float32)
    sb_incl = jnp.dot(nb, T8, preferred_element_type=jnp.float32)
    sb_excl = sb_incl - nb
    off = sb_excl * (1.0 * RB)
    base1 = jnp.sum(A1 * off, axis=1)
    base2 = jnp.sum(A2 * off, axis=1)
    r1 = jnp.sum(A1 * C, axis=1)
    r2 = jnp.sum(A2 * (C + A1), axis=1)
    pos1 = (base1 + r1).astype(jnp.int32)
    pos2 = (base2 + r2).astype(jnp.int32)

    tt = lax.broadcasted_iota(jnp.int32, (NBLK_PAD, E), 0).astype(jnp.float32)
    ee = lax.broadcasted_iota(jnp.int32, (NBLK_PAD, E), 1).astype(jnp.float32)
    covered = jnp.logical_and(sb_excl <= tt, nb > 0.0)
    blk = jnp.max(jnp.where(covered, ee + 1.0, 0.0), axis=1) - 1.0
    blk_ref[:] = jnp.maximum(blk, 0.0)[None, :].astype(jnp.int32)

    sidf = lax.broadcasted_iota(jnp.int32, (S, PCH), 0).astype(jnp.float32)
    for ci in range(NPAD // PCH):
        pcol = lax.broadcasted_iota(jnp.int32, (S, PCH), 1) + ci * PCH
        h0 = pos1[:, None] == pcol
        h1 = pos2[:, None] == pcol
        rtc = jnp.sum(jnp.where(jnp.logical_or(h0, h1), sidf, 0.0), axis=0)
        rwc = jnp.sum(jnp.where(h0, v1[:, None], 0.0)
                      + jnp.where(h1, v2[:, None], 0.0), axis=0)
        rt_ref[0, pl.ds(ci * PCH, PCH)] = rtc.astype(jnp.int32)
        rw_ref[0, pl.ds(ci * PCH, PCH)] = rwc


def _route_body(rt_hbm, x_hbm, xg_hbm, lrt, rows_a, rows_b, sg0, sg1, sw0, sw1):
    c = lax.axis_index("c")
    s = lax.axis_index("s")
    wid = c * 16 + s
    base = wid * RPW

    pltpu.sync_copy(rt_hbm.at[pl.ds(base, RPW)], lrt)
    bufs = (rows_a, rows_b)
    gsem = (sg0, sg1)
    wsem = (sw0, sw1)
    gh = pltpu.async_copy(x_hbm.at[lrt.at[pl.ds(0, GCH)]], bufs[0], gsem[0])
    wh = [None, None]
    for ch in range(NCH):
        cur = ch % 2
        gh.wait()
        wh[cur] = pltpu.async_copy(
            bufs[cur], xg_hbm.at[pl.ds(base + ch * GCH, GCH)], wsem[cur])
        if ch + 1 < NCH:
            nxt = (ch + 1) % 2
            if wh[nxt] is not None:
                wh[nxt].wait()
            gh = pltpu.async_copy(
                x_hbm.at[lrt.at[pl.ds((ch + 1) * GCH, GCH)]], bufs[nxt],
                gsem[nxt])
    wh[0].wait()
    wh[1].wait()


def _mlp_body(be_ref, xg_ref, W1_ref, b1_ref, W2_ref, b2_ref, W3_ref, b3_ref,
              w_ref, V_ref):
    j = pl.program_id(0)

    @pl.when(j == 0)
    def _init():
        V_ref[:] = jnp.zeros_like(V_ref)

    xb = xg_ref[:]
    h = jnp.maximum(jnp.dot(xb, W1_ref[0].T, preferred_element_type=jnp.float32)
                    + b1_ref[0], 0.0)
    h = jnp.maximum(jnp.dot(h, W2_ref[0].T, preferred_element_type=jnp.float32)
                    + b2_ref[0], 0.0)
    h = jnp.maximum(jnp.dot(h, W3_ref[0].T, preferred_element_type=jnp.float32)
                    + b3_ref[0], 0.0)
    vpart = jnp.sum(h * w_ref[0], axis=0, keepdims=True)
    onehot = (lax.broadcasted_iota(jnp.int32, (E, 1), 0) == be_ref[0, j]
              ).astype(jnp.float32)
    V_ref[:] += onehot * vpart


def _combine_body(sel_ref, V_ref, out_ref):
    out_ref[:] = jnp.dot(sel_ref[:], V_ref[:],
                         preferred_element_type=jnp.float32)


def _route_call(rt_flat, x2):
    mesh = plsc.VectorSubcoreMesh(core_axis_name="c", subcore_axis_name="s")
    f = pl.kernel(
        _route_body,
        out_type=jax.ShapeDtypeStruct((NPAD, DIN), jnp.float32),
        mesh=mesh,
        scratch_types=[
            pltpu.VMEM((RPW,), jnp.int32),
            pltpu.VMEM((GCH, DIN), jnp.float32),
            pltpu.VMEM((GCH, DIN), jnp.float32),
            pltpu.SemaphoreType.DMA,
            pltpu.SemaphoreType.DMA,
            pltpu.SemaphoreType.DMA,
            pltpu.SemaphoreType.DMA,
        ],
        compiler_params=pltpu.CompilerParams(needs_layout_passes=False),
    )
    return f(rt_flat, x2)


@jax.jit
def kernel(x, gate_w, gate_b, W1, b1, W2, b2, W3, b3):
    B = x.shape[0]
    x2 = x.reshape(B * S, DIN)

    sel, blk2, rt, rw = pl.pallas_call(
        _gate_body,
        out_shape=(jax.ShapeDtypeStruct((S, E), jnp.float32),
                   jax.ShapeDtypeStruct((1, NBLK_PAD), jnp.int32),
                   jax.ShapeDtypeStruct((1, NPAD), jnp.int32),
                   jax.ShapeDtypeStruct((1, NPAD), jnp.float32)),
    )(x2, gate_w, gate_b)

    xg = _route_call(rt.reshape(NPAD), x2)

    V = pl.pallas_call(
        _mlp_body,
        grid_spec=pltpu.PrefetchScalarGridSpec(
            num_scalar_prefetch=1,
            grid=(NBLK,),
            in_specs=[
                pl.BlockSpec((RB, DIN), lambda j, be: (j, 0)),
                pl.BlockSpec((1, DOUT, DIN), lambda j, be: (0, 0, 0)),
                pl.BlockSpec((1, 1, DOUT), lambda j, be: (be[0, j], 0, 0)),
                pl.BlockSpec((1, DOUT, DOUT), lambda j, be: (0, 0, 0)),
                pl.BlockSpec((1, 1, DOUT), lambda j, be: (be[0, j], 0, 0)),
                pl.BlockSpec((1, DOUT, DOUT), lambda j, be: (0, 0, 0)),
                pl.BlockSpec((1, 1, DOUT), lambda j, be: (be[0, j], 0, 0)),
                pl.BlockSpec((1, RB, 1), lambda j, be: (j, 0, 0)),
            ],
            out_specs=pl.BlockSpec((E, DOUT), lambda j, be: (0, 0)),
        ),
        out_shape=jax.ShapeDtypeStruct((E, DOUT), jnp.float32),
    )(blk2, xg, W1, b1.reshape(E, 1, DOUT), W2, b2.reshape(E, 1, DOUT),
      W3, b3.reshape(E, 1, DOUT), rw.reshape(NBLK, RB, 1))

    out = pl.pallas_call(
        _combine_body,
        grid=(S // TB,),
        in_specs=[
            pl.BlockSpec((TB, E), lambda tb: (tb, 0)),
            pl.BlockSpec((E, DOUT), lambda tb: (0, 0)),
        ],
        out_specs=pl.BlockSpec((TB, DOUT), lambda tb: (tb, 0)),
        out_shape=jax.ShapeDtypeStruct((S, DOUT), jnp.float32),
    )(sel, V)

    return out.reshape(B, S, DOUT)

# --- scband reference (transcript-rebuilt; emitter-appended) ---
"""Pipeline reference for scband-moe-fc-85899345920455 (READ-ONLY COPY).

The authoritative reference and input builder live on the scoring server;
editing this copy changes nothing except your own understanding.
"""

import jax, jax.numpy as jnp
import numpy as np

E = 8
K = 2
DIN = 1024
DOUT = 1024


def setup_inputs(seed: int = 0) -> dict:
    key = jax.random.key(seed)
    ks = jax.random.split(key, 9)
    s1 = 1.0 / np.sqrt(DIN)
    s2 = 1.0 / np.sqrt(DOUT)
    x = jax.random.normal(ks[0], (1, 2048, DIN), dtype=jnp.float32)
    gate_w = jax.random.uniform(ks[1], (E, DIN), minval=-s1, maxval=s1, dtype=jnp.float32)
    gate_b = jax.random.uniform(ks[2], (E,), minval=-s1, maxval=s1, dtype=jnp.float32)
    W1 = jax.random.uniform(ks[3], (E, DOUT, DIN), minval=-s1, maxval=s1, dtype=jnp.float32)
    b1 = jax.random.uniform(ks[4], (E, DOUT), minval=-s1, maxval=s1, dtype=jnp.float32)
    W2 = jax.random.uniform(ks[5], (E, DOUT, DOUT), minval=-s2, maxval=s2, dtype=jnp.float32)
    b2 = jax.random.uniform(ks[6], (E, DOUT), minval=-s2, maxval=s2, dtype=jnp.float32)
    W3 = jax.random.uniform(ks[7], (E, DOUT, DOUT), minval=-s2, maxval=s2, dtype=jnp.float32)
    b3 = jax.random.uniform(ks[8], (E, DOUT), minval=-s2, maxval=s2, dtype=jnp.float32)
    return {"x": x, "gate_w": gate_w, "gate_b": gate_b, "W1": W1, "b1": b1, "W2": W2, "b2": b2, "W3": W3, "b3": b3}


def reference(x, gate_w, gate_b, W1, b1, W2, b2, W3, b3):
    # gate: Linear(DIN, E)
    gate_logits = x @ gate_w.T + gate_b                      # [B, S, E]
    # NOTE: original torch code applies Softmax(dim=1), i.e. over the
    # sequence dimension of a [B, S, E] tensor. Reproduced faithfully.
    gate_probs = jax.nn.softmax(gate_logits, axis=1)
    topv, topi = jax.lax.top_k(gate_probs, K)               # [B, S, K]
    B, S, _ = x.shape
    outputs = jnp.zeros((B, S, DOUT), dtype=x.dtype)
    for i in range(E):
        # Expert i MLP applied to all tokens; unselected tokens get weight 0,
        # which reproduces the selected-token computation exactly.
        h = jax.nn.relu(x @ W1[i].T + b1[i])
        h = jax.nn.relu(h @ W2[i].T + b2[i])
        h = jax.nn.relu(h @ W3[i].T + b3[i])                 # [B, S, DOUT]
        # gate weight for tokens routed to expert i (topk indices are distinct
        # per token, so at most one slot matches)
        w = jnp.where(topi == i, topv, 0.0).sum(axis=-1)     # [B, S]
        sel = (topi == i).any(axis=-1).astype(x.dtype)       # [B, S]
        # original: experts[i](x_sel).T @ topKvalues_sel -> single [DOUT] vector
        v = jnp.einsum('bso,bs->o', h, w)                    # [DOUT]
        # original: outputs[sel_positions] += v
        outputs = outputs + sel[..., None] * v
    return outputs

if __name__ == "__main__":
    import jax
    _d = setup_inputs()
    print(jax.jit(kernel)(*tuple(_d.values())))

</pallas_src>

<mosaic_0001>
#map = affine_map<(d0, d1) -> (0)>
#map1 = affine_map<(d0, d1) -> (0, 0)>
module attributes {stable_mosaic.version = 14 : i64} {
  func.func @_route_body(%arg0: i32, %arg1: i32, %arg2: memref<5120xi32, #tpu.memory_space<hbm>>, %arg3: memref<2048x1024xf32, #tpu.memory_space<hbm>>, %arg4: memref<5120x1024xf32, #tpu.memory_space<hbm>>, %arg5: memref<160xi32, #tpu.memory_space<vmem>>, %arg6: memref<40x1024xf32, #tpu.memory_space<vmem>>, %arg7: memref<40x1024xf32, #tpu.memory_space<vmem>>, %arg8: memref<!tpu.dma_semaphore, #tpu.memory_space<semaphore_mem>>, %arg9: memref<!tpu.dma_semaphore, #tpu.memory_space<semaphore_mem>>, %arg10: memref<!tpu.dma_semaphore, #tpu.memory_space<semaphore_mem>>, %arg11: memref<!tpu.dma_semaphore, #tpu.memory_space<semaphore_mem>>) attributes {dimension_semantics = [#tpu.dimension_semantics<core_parallel>, #tpu.dimension_semantics<subcore_parallel>], iteration_bounds = array<i64: 2, 16>, scalar_prefetch = 0 : i64, scratch_operands = 7 : i64, tpu.core_type = #tpu.core_type<sc_vector_subcore>, window_params = [{transform_indices = #map}, {transform_indices = #map1}, {transform_indices = #map1}]} {
    %mul3A = arith.constant 16 : i32
    %mul3A_0 = arith.muli %arg0, %mul3A : i32
    %add3A = arith.addi %mul3A_0, %arg1 : i32
    %mul3A_1 = arith.constant 160 : i32
    %mul3A_2 = arith.muli %add3A, %mul3A_1 : i32
    "tpu.region"() ({
      %run_scoped3A = tpu.sem_alloc : memref<!tpu.dma_semaphore, #tpu.memory_space<semaphore_mem>>
      %dma_start3A_81 = tpu.memref_slice %arg2[%mul3A_2] : memref<5120xi32, #tpu.memory_space<hbm>> -> memref<160xi32, #tpu.memory_space<hbm>>
      %dma_start3A_82 = tpu.memref_slice %arg2[%mul3A_2] : memref<5120xi32, #tpu.memory_space<hbm>> -> memref<160xi32, #tpu.memory_space<hbm>>
      tpu.enqueue_dma source(%dma_start3A_82 : memref<160xi32, #tpu.memory_space<hbm>>) target(%arg5 : memref<160xi32, #tpu.memory_space<vmem>>) target_semaphore(%run_scoped3A : memref<!tpu.dma_semaphore, #tpu.memory_space<semaphore_mem>>)
      %dma_wait3A_83 = tpu.memref_slice %arg2[%mul3A_2] : memref<5120xi32, #tpu.memory_space<hbm>> -> memref<160xi32, #tpu.memory_space<hbm>>
      %dma_wait3A_84 = tpu.memref_slice %arg2[%mul3A_2] : memref<5120xi32, #tpu.memory_space<hbm>> -> memref<160xi32, #tpu.memory_space<hbm>>
      tpu.wait_dma2 semaphore(%run_scoped3A : memref<!tpu.dma_semaphore, #tpu.memory_space<semaphore_mem>>) src(%dma_wait3A_84 : memref<160xi32, #tpu.memory_space<hbm>>) dst(%arg5 : memref<160xi32, #tpu.memory_space<vmem>>)
      tpu.yield
    }) : () -> ()
    %dma_start3A = arith.constant 0 : i32
    %dma_start3A_3 = tpu.memref_slice %arg5[%dma_start3A] : memref<160xi32, #tpu.memory_space<vmem>> -> memref<40xi32, #tpu.memory_space<vmem>>
    %dma_start3A_4 = arith.constant 0 : i32
    %dma_start3A_5 = arith.constant 0 : i32
    %dma_start3A_6 = tpu.memref_slice %arg3[%dma_start3A_4, %dma_start3A_5] : memref<2048x1024xf32, #tpu.memory_space<hbm>> -> memref<2048x1024xf32, #tpu.memory_space<hbm>>
    tpu.enqueue_indirect_dma source(%dma_start3A_6 : memref<2048x1024xf32, #tpu.memory_space<hbm>>) target(%arg6 : memref<40x1024xf32, #tpu.memory_space<vmem>>) offsets(%dma_start3A_3 : memref<40xi32, #tpu.memory_space<vmem>>) semaphore(%arg8 : memref<!tpu.dma_semaphore, #tpu.memory_space<semaphore_mem>>)
    %dma_wait3A = arith.constant 0 : i32
    %dma_wait3A_7 = tpu.memref_slice %arg5[%dma_wait3A] : memref<160xi32, #tpu.memory_space<vmem>> -> memref<40xi32, #tpu.memory_space<vmem>>
    %dma_wait3A_8 = arith.constant 0 : i32
    %dma_wait3A_9 = arith.constant 0 : i32
    %dma_wait3A_10 = tpu.memref_slice %arg3[%dma_wait3A_8, %dma_wait3A_9] : memref<2048x1024xf32, #tpu.memory_space<hbm>> -> memref<2048x1024xf32, #tpu.memory_space<hbm>>
    tpu.wait_indirect_dma semaphore(%arg8 : memref<!tpu.dma_semaphore, #tpu.memory_space<semaphore_mem>>) src(%dma_wait3A_10 : memref<2048x1024xf32, #tpu.memory_space<hbm>>) dst(%arg6 : memref<40x1024xf32, #tpu.memory_space<vmem>>)
    %add3A_11 = arith.constant 0 : i32
    %add3A_12 = arith.addi %mul3A_2, %add3A_11 : i32
    %dma_start3A_13 = arith.constant 0 : i32
    %dma_start3A_14 = tpu.memref_slice %arg4[%add3A_12, %dma_start3A_13] : memref<5120x1024xf32, #tpu.memory_space<hbm>> -> memref<40x1024xf32, #tpu.memory_space<hbm>>
    %dma_start3A_15 = arith.constant 0 : i32
    %dma_start3A_16 = tpu.memref_slice %arg4[%add3A_12, %dma_start3A_15] : memref<5120x1024xf32, #tpu.memory_space<hbm>> -> memref<40x1024xf32, #tpu.memory_space<hbm>>
    tpu.enqueue_dma source(%arg6 : memref<40x1024xf32, #tpu.memory_space<vmem>>) target(%dma_start3A_16 : memref<40x1024xf32, #tpu.memory_space<hbm>>) target_semaphore(%arg10 : memref<!tpu.dma_semaphore, #tpu.memory_space<semaphore_mem>>)
    %dma_start3A_17 = arith.constant 40 : i32
    %dma_start3A_18 = tpu.memref_slice %arg5[%dma_start3A_17] : memref<160xi32, #tpu.memory_space<vmem>> -> memref<40xi32, #tpu.memory_space<vmem>>
    %dma_start3A_19 = arith.constant 0 : i32
    %dma_start3A_20 = arith.constant 0 : i32
    %dma_start3A_21 = tpu.memref_slice %arg3[%dma_start3A_19, %dma_start3A_20] : memref<2048x1024xf32, #tpu.memory_space<hbm>> -> memref<2048x1024xf32, #tpu.memory_space<hbm>>
    tpu.enqueue_indirect_dma source(%dma_start3A_21 : memref<2048x1024xf32, #tpu.memory_space<hbm>>) target(%arg7 : memref<40x1024xf32, #tpu.memory_space<vmem>>) offsets(%dma_start3A_18 : memref<40xi32, #tpu.memory_space<vmem>>) semaphore(%arg9 : memref<!tpu.dma_semaphore, #tpu.memory_space<semaphore_mem>>)
    %dma_wait3A_22 = arith.constant 40 : i32
    %dma_wait3A_23 = tpu.memref_slice %arg5[%dma_wait3A_22] : memref<160xi32, #tpu.memory_space<vmem>> -> memref<40xi32, #tpu.memory_space<vmem>>
    %dma_wait3A_24 = arith.constant 0 : i32
    %dma_wait3A_25 = arith.constant 0 : i32
    %dma_wait3A_26 = tpu.memref_slice %arg3[%dma_wait3A_24, %dma_wait3A_25] : memref<2048x1024xf32, #tpu.memory_space<hbm>> -> memref<2048x1024xf32, #tpu.memory_space<hbm>>
    tpu.wait_indirect_dma semaphore(%arg9 : memref<!tpu.dma_semaphore, #tpu.memory_space<semaphore_mem>>) src(%dma_wait3A_26 : memref<2048x1024xf32, #tpu.memory_space<hbm>>) dst(%arg7 : memref<40x1024xf32, #tpu.memory_space<vmem>>)
    %add3A_27 = arith.constant 40 : i32
    %add3A_28 = arith.addi %mul3A_2, %add3A_27 : i32
    %dma_start3A_29 = arith.constant 0 : i32
    %dma_start3A_30 = tpu.memref_slice %arg4[%add3A_28, %dma_start3A_29] : memref<5120x1024xf32, #tpu.memory_space<hbm>> -> memref<40x1024xf32, #tpu.memory_space<hbm>>
    %dma_start3A_31 = arith.constant 0 : i32
    %dma_start3A_32 = tpu.memref_slice %arg4[%add3A_28, %dma_start3A_31] : memref<5120x1024xf32, #tpu.memory_space<hbm>> -> memref<40x1024xf32, #tpu.memory_space<hbm>>
    tpu.enqueue_dma source(%arg7 : memref<40x1024xf32, #tpu.memory_space<vmem>>) target(%dma_start3A_32 : memref<40x1024xf32, #tpu.memory_space<hbm>>) target_semaphore(%arg11 : memref<!tpu.dma_semaphore, #tpu.memory_space<semaphore_mem>>)
    %dma_wait3A_33 = arith.constant 0 : i32
    %dma_wait3A_34 = tpu.memref_slice %arg4[%add3A_12, %dma_wait3A_33] : memref<5120x1024xf32, #tpu.memory_space<hbm>> -> memref<40x1024xf32, #tpu.memory_space<hbm>>
    %dma_wait3A_35 = arith.constant 0 : i32
    %dma_wait3A_36 = tpu.memref_slice %arg4[%add3A_12, %dma_wait3A_35] : memref<5120x1024xf32, #tpu.memory_space<hbm>> -> memref<40x1024xf32, #tpu.memory_space<hbm>>
    tpu.wait_dma2 semaphore(%arg10 : memref<!tpu.dma_semaphore, #tpu.memory_space<semaphore_mem>>) src(%arg6 : memref<40x1024xf32, #tpu.memory_space<vmem>>) dst(%dma_wait3A_36 : memref<40x1024xf32, #tpu.memory_space<hbm>>)
    %dma_start3A_37 = arith.constant 80 : i32
    %dma_start3A_38 = tpu.memref_slice %arg5[%dma_start3A_37] : memref<160xi32, #tpu.memory_space<vmem>> -> memref<40xi32, #tpu.memory_space<vmem>>
    %dma_start3A_39 = arith.constant 0 : i32
    %dma_start3A_40 = arith.constant 0 : i32
    %dma_start3A_41 = tpu.memref_slice %arg3[%dma_start3A_39, %dma_start3A_40] : memref<2048x1024xf32, #tpu.memory_space<hbm>> -> memref<2048x1024xf32, #tpu.memory_space<hbm>>
    tpu.enqueue_indirect_dma source(%dma_start3A_41 : memref<2048x1024xf32, #tpu.memory_space<hbm>>) target(%arg6 : memref<40x1024xf32, #tpu.memory_space<vmem>>) offsets(%dma_start3A_38 : memref<40xi32, #tpu.memory_space<vmem>>) semaphore(%arg8 : memref<!tpu.dma_semaphore, #tpu.memory_space<semaphore_mem>>)
    %dma_wait3A_42 = arith.constant 80 : i32
    %dma_wait3A_43 = tpu.memref_slice %arg5[%dma_wait3A_42] : memref<160xi32, #tpu.memory_space<vmem>> -> memref<40xi32, #tpu.memory_space<vmem>>
    %dma_wait3A_44 = arith.constant 0 : i32
    %dma_wait3A_45 = arith.constant 0 : i32
    %dma_wait3A_46 = tpu.memref_slice %arg3[%dma_wait3A_44, %dma_wait3A_45] : memref<2048x1024xf32, #tpu.memory_space<hbm>> -> memref<2048x1024xf32, #tpu.memory_space<hbm>>
    tpu.wait_indirect_dma semaphore(%arg8 : memref<!tpu.dma_semaphore, #tpu.memory_space<semaphore_mem>>) src(%dma_wait3A_46 : memref<2048x1024xf32, #tpu.memory_space<hbm>>) dst(%arg6 : memref<40x1024xf32, #tpu.memory_space<vmem>>)
    %add3A_47 = arith.constant 80 : i32
    %add3A_48 = arith.addi %mul3A_2, %add3A_47 : i32
    %dma_start3A_49 = arith.constant 0 : i32
    %dma_start3A_50 = tpu.memref_slice %arg4[%add3A_48, %dma_start3A_49] : memref<5120x1024xf32, #tpu.memory_space<hbm>> -> memref<40x1024xf32, #tpu.memory_space<hbm>>
    %dma_start3A_51 = arith.constant 0 : i32
    %dma_start3A_52 = tpu.memref_slice %arg4[%add3A_48, %dma_start3A_51] : memref<5120x1024xf32, #tpu.memory_space<hbm>> -> memref<40x1024xf32, #tpu.memory_space<hbm>>
    tpu.enqueue_dma source(%arg6 : memref<40x1024xf32, #tpu.memory_space<vmem>>) target(%dma_start3A_52 : memref<40x1024xf32, #tpu.memory_space<hbm>>) target_semaphore(%arg10 : memref<!tpu.dma_semaphore, #tpu.memory_space<semaphore_mem>>)
    %dma_wait3A_53 = arith.constant 0 : i32
    %dma_wait3A_54 = tpu.memref_slice %arg4[%add3A_28, %dma_wait3A_53] : memref<5120x1024xf32, #tpu.memory_space<hbm>> -> memref<40x1024xf32, #tpu.memory_space<hbm>>
    %dma_wait3A_55 = arith.constant 0 : i32
    %dma_wait3A_56 = tpu.memref_slice %arg4[%add3A_28, %dma_wait3A_55] : memref<5120x1024xf32, #tpu.memory_space<hbm>> -> memref<40x1024xf32, #tpu.memory_space<hbm>>
    tpu.wait_dma2 semaphore(%arg11 : memref<!tpu.dma_semaphore, #tpu.memory_space<semaphore_mem>>) src(%arg7 : memref<40x1024xf32, #tpu.memory_space<vmem>>) dst(%dma_wait3A_56 : memref<40x1024xf32, #tpu.memory_space<hbm>>)
    %dma_start3A_57 = arith.constant 120 : i32
    %dma_start3A_58 = tpu.memref_slice %arg5[%dma_start3A_57] : memref<160xi32, #tpu.memory_space<vmem>> -> memref<40xi32, #tpu.memory_space<vmem>>
    %dma_start3A_59 = arith.constant 0 : i32
    %dma_start3A_60 = arith.constant 0 : i32
    %dma_start3A_61 = tpu.memref_slice %arg3[%dma_start3A_59, %dma_start3A_60] : memref<2048x1024xf32, #tpu.memory_space<hbm>> -> memref<2048x1024xf32, #tpu.memory_space<hbm>>
    tpu.enqueue_indirect_dma source(%dma_start3A_61 : memref<2048x1024xf32, #tpu.memory_space<hbm>>) target(%arg7 : memref<40x1024xf32, #tpu.memory_space<vmem>>) offsets(%dma_start3A_58 : memref<40xi32, #tpu.memory_space<vmem>>) semaphore(%arg9 : memref<!tpu.dma_semaphore, #tpu.memory_space<semaphore_mem>>)
    %dma_wait3A_62 = arith.constant 120 : i32
    %dma_wait3A_63 = tpu.memref_slice %arg5[%dma_wait3A_62] : memref<160xi32, #tpu.memory_space<vmem>> -> memref<40xi32, #tpu.memory_space<vmem>>
    %dma_wait3A_64 = arith.constant 0 : i32
    %dma_wait3A_65 = arith.constant 0 : i32
    %dma_wait3A_66 = tpu.memref_slice %arg3[%dma_wait3A_64, %dma_wait3A_65] : memref<2048x1024xf32, #tpu.memory_space<hbm>> -> memref<2048x1024xf32, #tpu.memory_space<hbm>>
    tpu.wait_indirect_dma semaphore(%arg9 : memref<!tpu.dma_semaphore, #tpu.memory_space<semaphore_mem>>) src(%dma_wait3A_66 : memref<2048x1024xf32, #tpu.memory_space<hbm>>) dst(%arg7 : memref<40x1024xf32, #tpu.memory_space<vmem>>)
    %add3A_67 = arith.constant 120 : i32
    %add3A_68 = arith.addi %mul3A_2, %add3A_67 : i32
    %dma_start3A_69 = arith.constant 0 : i32
    %dma_start3A_70 = tpu.memref_slice %arg4[%add3A_68, %dma_start3A_69] : memref<5120x1024xf32, #tpu.memory_space<hbm>> -> memref<40x1024xf32, #tpu.memory_space<hbm>>
    %dma_start3A_71 = arith.constant 0 : i32
    %dma_start3A_72 = tpu.memref_slice %arg4[%add3A_68, %dma_start3A_71] : memref<5120x1024xf32, #tpu.memory_space<hbm>> -> memref<40x1024xf32, #tpu.memory_space<hbm>>
    tpu.enqueue_dma source(%arg7 : memref<40x1024xf32, #tpu.memory_space<vmem>>) target(%dma_start3A_72 : memref<40x1024xf32, #tpu.memory_space<hbm>>) target_semaphore(%arg11 : memref<!tpu.dma_semaphore, #tpu.memory_space<semaphore_mem>>)
    %dma_wait3A_73 = arith.constant 0 : i32
    %dma_wait3A_74 = tpu.memref_slice %arg4[%add3A_48, %dma_wait3A_73] : memref<5120x1024xf32, #tpu.memory_space<hbm>> -> memref<40x1024xf32, #tpu.memory_space<hbm>>
    %dma_wait3A_75 = arith.constant 0 : i32
    %dma_wait3A_76 = tpu.memref_slice %arg4[%add3A_48, %dma_wait3A_75] : memref<5120x1024xf32, #tpu.memory_space<hbm>> -> memref<40x1024xf32, #tpu.memory_space<hbm>>
    tpu.wait_dma2 semaphore(%arg10 : memref<!tpu.dma_semaphore, #tpu.memory_space<semaphore_mem>>) src(%arg6 : memref<40x1024xf32, #tpu.memory_space<vmem>>) dst(%dma_wait3A_76 : memref<40x1024xf32, #tpu.memory_space<hbm>>)
    %dma_wait3A_77 = arith.constant 0 : i32
    %dma_wait3A_78 = tpu.memref_slice %arg4[%add3A_68, %dma_wait3A_77] : memref<5120x1024xf32, #tpu.memory_space<hbm>> -> memref<40x1024xf32, #tpu.memory_space<hbm>>
    %dma_wait3A_79 = arith.constant 0 : i32
    %dma_wait3A_80 = tpu.memref_slice %arg4[%add3A_68, %dma_wait3A_79] : memref<5120x1024xf32, #tpu.memory_space<hbm>> -> memref<40x1024xf32, #tpu.memory_space<hbm>>
    tpu.wait_dma2 semaphore(%arg11 : memref<!tpu.dma_semaphore, #tpu.memory_space<semaphore_mem>>) src(%arg7 : memref<40x1024xf32, #tpu.memory_space<vmem>>) dst(%dma_wait3A_80 : memref<40x1024xf32, #tpu.memory_space<hbm>>)
    return
  }
}

module attributes {stable_mosaic.version = 14 : i64} {
  func.func @_gate_body(%arg0: memref<2048x1024xf32, #tpu.memory_space<vmem>>, %arg1: memref<8x1024xf32, #tpu.memory_space<vmem>>, %arg2: memref<8xf32, #tpu.memory_space<vmem>>, %arg3: memref<2048x8xf32, #tpu.memory_space<vmem>>, %arg4: memref<1x48xi32, #tpu.memory_space<vmem>>, %arg5: memref<1x5120xi32, #tpu.memory_space<vmem>>, %arg6: memref<1x5120xf32, #tpu.memory_space<vmem>>) attributes {dimension_semantics = [], scalar_prefetch = 0 : i64, scratch_operands = 0 : i64, tpu.core_type = #tpu.core_type<tc>} {
    %get3A = arith.constant 0 : index
    %get3A_0 = arith.constant 0 : index
    %get3A_1 = vector.load %arg0[%get3A, %get3A_0] : memref<2048x1024xf32, #tpu.memory_space<vmem>>, vector<2048x1024xf32>
    %get3A_2 = arith.constant 0 : index
    %get3A_3 = arith.constant 0 : index
    %get3A_4 = vector.load %arg1[%get3A_2, %get3A_3] : memref<8x1024xf32, #tpu.memory_space<vmem>>, vector<8x1024xf32>
    %transpose3A = tpu.transpose %get3A_4, [1, 0] : vector<8x1024xf32> -> vector<1024x8xf32>
    %dot_general3A = arith.constant dense<0.000000e+00> : vector<2048x8xf32>
    %dot_general3A_5 = tpu.matmul %get3A_1, %transpose3A, %dot_general3A {dimension_numbers = #tpu.dot_dimension_numbers<[1], [0], [0], [1], [0, 0, 1, 1], [], []>, transpose_lhs_hint = false} : vector<2048x1024xf32>, vector<1024x8xf32>, vector<2048x8xf32> -> vector<2048x8xf32>
    %get3A_6 = arith.constant 0 : index
    %get3A_7 = vector.load %arg2[%get3A_6] : memref<8xf32, #tpu.memory_space<vmem>>, vector<8xf32>
    %broadcast_in_dim3A = vector.shape_cast %get3A_7 : vector<8xf32> to vector<1x8xf32>
    %add3A = vector.broadcast %broadcast_in_dim3A : vector<1x8xf32> to vector<2048x8xf32>
    %add3A_8 = arith.addf %dot_general3A_5, %add3A : vector<2048x8xf32>
    %reduce_max3A = arith.constant dense<0xFF800000> : vector<8xf32>
    %reduce_max3A_9 = vector.multi_reduction <maximumf>, %add3A_8, %reduce_max3A [0] : vector<2048x8xf32> to vector<8xf32>
    %broadcast_in_dim3A_10 = vector.shape_cast %reduce_max3A_9 : vector<8xf32> to vector<1x8xf32>
    %sub3A = vector.broadcast %broadcast_in_dim3A_10 : vector<1x8xf32> to vector<2048x8xf32>
    %sub3A_11 = arith.subf %add3A_8, %sub3A : vector<2048x8xf32>
    %exp3A = math.exp %sub3A_11 : vector<2048x8xf32>
    %reduce_sum3A = arith.constant dense<0.000000e+00> : vector<8xf32>
    %reduce_sum3A_12 = vector.multi_reduction <add>, %exp3A, %reduce_sum3A [0] : vector<2048x8xf32> to vector<8xf32>
    %broadcast_in_dim3A_13 = vector.shape_cast %reduce_sum3A_12 : vector<8xf32> to vector<1x8xf32>
    %div3A = vector.broadcast %broadcast_in_dim3A_13 : vector<1x8xf32> to vector<2048x8xf32>
    %div3A_14 = arith.divf %exp3A, %div3A : vector<2048x8xf32>
    %iota3A = tpu.iota {dimensions = array<i32: 1>} : vector<2048x8xi32>
    %argmax3A = tpu.reduce_index %div3A_14 {axis = 1 : i32, kind = #tpu.reduction_kind<arg_max>} : vector<2048x8xf32> -> vector<2048xi32>
    %broadcast_in_dim3A_15 = vector.shape_cast %argmax3A : vector<2048xi32> to vector<2048x1xi32>
    %eq3A = vector.broadcast %broadcast_in_dim3A_15 : vector<2048x1xi32> to vector<2048x8xi32>
    %eq3A_16 = arith.cmpi eq, %iota3A, %eq3A : vector<2048x8xi32>
    %jit3A = arith.constant -1.000000e+00 : f32
    %broadcast_in_dim3A_17 = vector.broadcast %jit3A : f32 to vector<2048x8xf32>
    %select_n3A = arith.select %eq3A_16, %broadcast_in_dim3A_17, %div3A_14 : vector<2048x8xi1>, vector<2048x8xf32>
    %argmax3A_18 = tpu.reduce_index %select_n3A {axis = 1 : i32, kind = #tpu.reduction_kind<arg_max>} : vector<2048x8xf32> -> vector<2048xi32>
    %broadcast_in_dim3A_19 = vector.shape_cast %argmax3A : vector<2048xi32> to vector<2048x1xi32>
    %eq3A_20 = vector.broadcast %broadcast_in_dim3A_19 : vector<2048x1xi32> to vector<2048x8xi32>
    %eq3A_21 = arith.cmpi eq, %iota3A, %eq3A_20 : vector<2048x8xi32>
    %convert_element_type3A = arith.extui %eq3A_21 : vector<2048x8xi1> to vector<2048x8xi32>
    %convert_element_type3A_22 = arith.sitofp %convert_element_type3A : vector<2048x8xi32> to vector<2048x8xf32>
    %broadcast_in_dim3A_23 = vector.shape_cast %argmax3A_18 : vector<2048xi32> to vector<2048x1xi32>
    %eq3A_24 = vector.broadcast %broadcast_in_dim3A_23 : vector<2048x1xi32> to vector<2048x8xi32>
    %eq3A_25 = arith.cmpi eq, %iota3A, %eq3A_24 : vector<2048x8xi32>
    %convert_element_type3A_26 = arith.extui %eq3A_25 : vector<2048x8xi1> to vector<2048x8xi32>
    %convert_element_type3A_27 = arith.sitofp %convert_element_type3A_26 : vector<2048x8xi32> to vector<2048x8xf32>
    %add3A_28 = arith.addf %convert_element_type3A_22, %convert_element_type3A_27 : vector<2048x8xf32>
    %swap3A = arith.constant 0 : index
    %swap3A_29 = arith.constant 0 : index
    %swap3A_30 = vector.load %arg3[%swap3A, %swap3A_29] : memref<2048x8xf32, #tpu.memory_space<vmem>>, vector<2048x8xf32>
    tpu.vector_store %arg3[%swap3A, %swap3A_29], %add3A_28 {strides = array<i32>} : memref<2048x8xf32, #tpu.memory_space<vmem>>, vector<2048x8xf32>,
    %reduce_max3A_31 = arith.constant dense<0xFF800000> : vector<2048xf32>
    %reduce_max3A_32 = vector.multi_reduction <maximumf>, %div3A_14, %reduce_max3A_31 [1] : vector<2048x8xf32> to vector<2048xf32>
    %reduce_max3A_33 = arith.constant dense<0xFF800000> : vector<2048xf32>
    %reduce_max3A_34 = vector.multi_reduction <maximumf>, %select_n3A, %reduce_max3A_33 [1] : vector<2048x8xf32> to vector<2048xf32>
    %add3A_35 = arith.addf %convert_element_type3A_22, %convert_element_type3A_27 : vector<2048x8xf32>
    %iota3A_36 = tpu.iota {dimensions = array<i32: 0>} : vector<2048x2048xi32>
    %iota3A_37 = tpu.iota {dimensions = array<i32: 1>} : vector<2048x2048xi32>
    %lt3A = arith.cmpi slt, %iota3A_37, %iota3A_36 : vector<2048x2048xi32>
    %convert_element_type3A_38 = arith.extui %lt3A : vector<2048x2048xi1> to vector<2048x2048xi32>
    %convert_element_type3A_39 = arith.sitofp %convert_element_type3A_38 : vector<2048x2048xi32> to vector<2048x2048xf32>
    %dot_general3A_40 = arith.constant dense<0.000000e+00> : vector<2048x8xf32>
    %dot_general3A_41 = tpu.matmul %convert_element_type3A_39, %add3A_35, %dot_general3A_40 {dimension_numbers = #tpu.dot_dimension_numbers<[1], [0], [0], [1], [0, 0, 1, 1], [], []>, transpose_lhs_hint = false} : vector<2048x2048xf32>, vector<2048x8xf32>, vector<2048x8xf32> -> vector<2048x8xf32>
    %reduce_sum3A_42 = arith.constant dense<0.000000e+00> : vector<8xf32>
    %reduce_sum3A_43 = vector.multi_reduction <add>, %add3A_35, %reduce_sum3A_42 [0] : vector<2048x8xf32> to vector<8xf32>
    %broadcast_in_dim3A_44 = vector.shape_cast %reduce_sum3A_43 : vector<8xf32> to vector<1x8xf32>
    %add3A_45 = arith.constant 1.270000e+02 : f32
    %add3A_46 = vector.broadcast %add3A_45 : f32 to vector<1x8xf32>
    %add3A_47 = arith.addf %broadcast_in_dim3A_44, %add3A_46 : vector<1x8xf32>
    %mul3A = arith.constant 7.812500e-03 : f32
    %mul3A_48 = vector.broadcast %mul3A : f32 to vector<1x8xf32>
    %mul3A_49 = arith.mulf %add3A_47, %mul3A_48 : vector<1x8xf32>
    %floor3A = math.floor %mul3A_49 : vector<1x8xf32>
    %iota3A_50 = tpu.iota {dimensions = array<i32: 0>} : vector<8x8xi32>
    %iota3A_51 = tpu.iota {dimensions = array<i32: 1>} : vector<8x8xi32>
    %le3A = arith.cmpi sle, %iota3A_50, %iota3A_51 : vector<8x8xi32>
    %convert_element_type3A_52 = arith.extui %le3A : vector<8x8xi1> to vector<8x8xi32>
    %convert_element_type3A_53 = arith.sitofp %convert_element_type3A_52 : vector<8x8xi32> to vector<8x8xf32>
    %dot_general3A_54 = arith.constant dense<0.000000e+00> : vector<1x8xf32>
    %dot_general3A_55 = tpu.matmul %floor3A, %convert_element_type3A_53, %dot_general3A_54 {dimension_numbers = #tpu.dot_dimension_numbers<[1], [0], [0], [1], [0, 0, 1, 1], [], []>, transpose_lhs_hint = false} : vector<1x8xf32>, vector<8x8xf32>, vector<1x8xf32> -> vector<1x8xf32>
    %sub3A_56 = arith.subf %dot_general3A_55, %floor3A : vector<1x8xf32>
    %mul3A_57 = arith.constant 1.280000e+02 : f32
    %mul3A_58 = vector.broadcast %mul3A_57 : f32 to vector<1x8xf32>
    %mul3A_59 = arith.mulf %sub3A_56, %mul3A_58 : vector<1x8xf32>
    %mul3A_60 = vector.broadcast %mul3A_59 : vector<1x8xf32> to vector<2048x8xf32>
    %mul3A_61 = arith.mulf %convert_element_type3A_22, %mul3A_60 : vector<2048x8xf32>
    %reduce_sum3A_62 = arith.constant dense<0.000000e+00> : vector<2048xf32>
    %reduce_sum3A_63 = vector.multi_reduction <add>, %mul3A_61, %reduce_sum3A_62 [1] : vector<2048x8xf32> to vector<2048xf32>
    %mul3A_64 = vector.broadcast %mul3A_59 : vector<1x8xf32> to vector<2048x8xf32>
    %mul3A_65 = arith.mulf %convert_element_type3A_27, %mul3A_64 : vector<2048x8xf32>
    %reduce_sum3A_66 = arith.constant dense<0.000000e+00> : vector<2048xf32>
    %reduce_sum3A_67 = vector.multi_reduction <add>, %mul3A_65, %reduce_sum3A_66 [1] : vector<2048x8xf32> to vector<2048xf32>
    %mul3A_68 = arith.mulf %convert_element_type3A_22, %dot_general3A_41 : vector<2048x8xf32>
    %reduce_sum3A_69 = arith.constant dense<0.000000e+00> : vector<2048xf32>
    %reduce_sum3A_70 = vector.multi_reduction <add>, %mul3A_68, %reduce_sum3A_69 [1] : vector<2048x8xf32> to vector<2048xf32>
    %add3A_71 = arith.addf %dot_general3A_41, %convert_element_type3A_22 : vector<2048x8xf32>
    %mul3A_72 = arith.mulf %convert_element_type3A_27, %add3A_71 : vector<2048x8xf32>
    %reduce_sum3A_73 = arith.constant dense<0.000000e+00> : vector<2048xf32>
    %reduce_sum3A_74 = vector.multi_reduction <add>, %mul3A_72, %reduce_sum3A_73 [1] : vector<2048x8xf32> to vector<2048xf32>
    %add3A_75 = arith.addf %reduce_sum3A_63, %reduce_sum3A_70 : vector<2048xf32>
    %convert_element_type3A_76 = arith.fptosi %add3A_75 : vector<2048xf32> to vector<2048xi32>
    %add3A_77 = arith.addf %reduce_sum3A_67, %reduce_sum3A_74 : vector<2048xf32>
    %convert_element_type3A_78 = arith.fptosi %add3A_77 : vector<2048xf32> to vector<2048xi32>
    %iota3A_79 = tpu.iota {dimensions = array<i32: 0>} : vector<48x8xi32>
    %convert_element_type3A_80 = arith.sitofp %iota3A_79 : vector<48x8xi32> to vector<48x8xf32>
    %iota3A_81 = tpu.iota {dimensions = array<i32: 1>} : vector<48x8xi32>
    %convert_element_type3A_82 = arith.sitofp %iota3A_81 : vector<48x8xi32> to vector<48x8xf32>
    %le3A_83 = vector.broadcast %sub3A_56 : vector<1x8xf32> to vector<48x8xf32>
    %le3A_84 = arith.cmpf ole, %le3A_83, %convert_element_type3A_80 : vector<48x8xf32>
    %gt3A = arith.constant 0.000000e+00 : f32
    %gt3A_85 = vector.broadcast %gt3A : f32 to vector<1x8xf32>
    %gt3A_86 = arith.cmpf ogt, %floor3A, %gt3A_85 : vector<1x8xf32>
    %and3A = vector.broadcast %gt3A_86 : vector<1x8xi1> to vector<48x8xi1>
    %and3A_87 = arith.andi %le3A_84, %and3A : vector<48x8xi1>
    %add3A_88 = arith.constant 1.000000e+00 : f32
    %add3A_89 = vector.broadcast %add3A_88 : f32 to vector<48x8xf32>
    %add3A_90 = arith.addf %convert_element_type3A_82, %add3A_89 : vector<48x8xf32>
    %jit3A_91 = arith.constant 0.000000e+00 : f32
    %broadcast_in_dim3A_92 = vector.broadcast %jit3A_91 : f32 to vector<48x8xf32>
    %select_n3A_93 = arith.select %and3A_87, %add3A_90, %broadcast_in_dim3A_92 : vector<48x8xi1>, vector<48x8xf32>
    %reduce_max3A_94 = arith.constant dense<0xFF800000> : vector<48xf32>
    %reduce_max3A_95 = vector.multi_reduction <maximumf>, %select_n3A_93, %reduce_max3A_94 [1] : vector<48x8xf32> to vector<48xf32>
    %sub3A_96 = arith.constant 1.000000e+00 : f32
    %sub3A_97 = vector.broadcast %sub3A_96 : f32 to vector<48xf32>
    %sub3A_98 = arith.subf %reduce_max3A_95, %sub3A_97 : vector<48xf32>
    %max3A = arith.constant 0.000000e+00 : f32
    %max3A_99 = vector.broadcast %max3A : f32 to vector<48xf32>
    %max3A_100 = arith.maximumf %sub3A_98, %max3A_99 : vector<48xf32>
    %broadcast_in_dim3A_101 = vector.shape_cast %max3A_100 : vector<48xf32> to vector<1x48xf32>
    %convert_element_type3A_102 = arith.fptosi %broadcast_in_dim3A_101 : vector<1x48xf32> to vector<1x48xi32>
    %swap3A_103 = arith.constant 0 : index
    %swap3A_104 = arith.constant 0 : index
    %swap3A_105 = vector.load %arg4[%swap3A_103, %swap3A_104] : memref<1x48xi32, #tpu.memory_space<vmem>>, vector<1x48xi32>
    tpu.vector_store %arg4[%swap3A_103, %swap3A_104], %convert_element_type3A_102 {strides = array<i32>} : memref<1x48xi32, #tpu.memory_space<vmem>>, vector<1x48xi32>,
    %iota3A_106 = tpu.iota {dimensions = array<i32: 0>} : vector<2048x1024xi32>
    %convert_element_type3A_107 = arith.sitofp %iota3A_106 : vector<2048x1024xi32> to vector<2048x1024xf32>
    %iota3A_108 = tpu.iota {dimensions = array<i32: 1>} : vector<2048x1024xi32>
    %add3A_109 = arith.constant 0 : i32
    %add3A_110 = vector.broadcast %add3A_109 : i32 to vector<2048x1024xi32>
    %add3A_111 = arith.addi %iota3A_108, %add3A_110 : vector<2048x1024xi32>
    %broadcast_in_dim3A_112 = vector.shape_cast %convert_element_type3A_76 : vector<2048xi32> to vector<2048x1xi32>
    %eq3A_113 = vector.broadcast %broadcast_in_dim3A_112 : vector<2048x1xi32> to vector<2048x1024xi32>
    %eq3A_114 = arith.cmpi eq, %eq3A_113, %add3A_111 : vector<2048x1024xi32>
    %broadcast_in_dim3A_115 = vector.shape_cast %convert_element_type3A_78 : vector<2048xi32> to vector<2048x1xi32>
    %eq3A_116 = vector.broadcast %broadcast_in_dim3A_115 : vector<2048x1xi32> to vector<2048x1024xi32>
    %eq3A_117 = arith.cmpi eq, %eq3A_116, %add3A_111 : vector<2048x1024xi32>
    %or3A = arith.ori %eq3A_114, %eq3A_117 : vector<2048x1024xi1>
    %jit3A_118 = arith.constant 0.000000e+00 : f32
    %broadcast_in_dim3A_119 = vector.broadcast %jit3A_118 : f32 to vector<2048x1024xf32>
    %select_n3A_120 = arith.select %or3A, %convert_element_type3A_107, %broadcast_in_dim3A_119 : vector<2048x1024xi1>, vector<2048x1024xf32>
    %reduce_sum3A_121 = arith.constant dense<0.000000e+00> : vector<1024xf32>
    %reduce_sum3A_122 = vector.multi_reduction <add>, %select_n3A_120, %reduce_sum3A_121 [0] : vector<2048x1024xf32> to vector<1024xf32>
    %broadcast_in_dim3A_123 = vector.shape_cast %reduce_max3A_32 : vector<2048xf32> to vector<2048x1xf32>
    %jit3A_124 = arith.constant 0.000000e+00 : f32
    %broadcast_in_dim3A_125 = vector.shape_cast %broadcast_in_dim3A_123 : vector<2048x1xf32> to vector<2048x1xf32>
    %broadcast_in_dim3A_126 = vector.broadcast %broadcast_in_dim3A_125 : vector<2048x1xf32> to vector<2048x1024xf32>
    %broadcast_in_dim3A_127 = vector.broadcast %jit3A_124 : f32 to vector<2048x1024xf32>
    %select_n3A_128 = arith.select %eq3A_114, %broadcast_in_dim3A_126, %broadcast_in_dim3A_127 : vector<2048x1024xi1>, vector<2048x1024xf32>
    %broadcast_in_dim3A_129 = vector.shape_cast %reduce_max3A_34 : vector<2048xf32> to vector<2048x1xf32>
    %jit3A_130 = arith.constant 0.000000e+00 : f32
    %broadcast_in_dim3A_131 = vector.shape_cast %broadcast_in_dim3A_129 : vector<2048x1xf32> to vector<2048x1xf32>
    %broadcast_in_dim3A_132 = vector.broadcast %broadcast_in_dim3A_131 : vector<2048x1xf32> to vector<2048x1024xf32>
    %broadcast_in_dim3A_133 = vector.broadcast %jit3A_130 : f32 to vector<2048x1024xf32>
    %select_n3A_134 = arith.select %eq3A_117, %broadcast_in_dim3A_132, %broadcast_in_dim3A_133 : vector<2048x1024xi1>, vector<2048x1024xf32>
    %add3A_135 = arith.addf %select_n3A_128, %select_n3A_134 : vector<2048x1024xf32>
    %reduce_sum3A_136 = arith.constant dense<0.000000e+00> : vector<1024xf32>
    %reduce_sum3A_137 = vector.multi_reduction <add>, %add3A_135, %reduce_sum3A_136 [0] : vector<2048x1024xf32> to vector<1024xf32>
    %convert_element_type3A_138 = arith.fptosi %reduce_sum3A_122 : vector<1024xf32> to vector<1024xi32>
    %swap3A_139 = arith.constant 0 : index
    %swap3A_140 = arith.constant 0 : index
    %swap3A_141 = vector.load %arg5[%swap3A_139, %swap3A_140] : memref<1x5120xi32, #tpu.memory_space<vmem>>, vector<1x1024xi32>
    %swap3A_142 = vector.shape_cast %swap3A_141 : vector<1x1024xi32> to vector<1024xi32>
    %swap3A_143 = vector.shape_cast %convert_element_type3A_138 : vector<1024xi32> to vector<1x1024xi32>
    tpu.vector_store %arg5[%swap3A_139, %swap3A_140], %swap3A_143 {strides = array<i32>} : memref<1x5120xi32, #tpu.memory_space<vmem>>, vector<1x1024xi32>,
    %swap3A_144 = arith.constant 0 : index
    %swap3A_145 = arith.constant 0 : index
    %swap3A_146 = vector.load %arg6[%swap3A_144, %swap3A_145] : memref<1x5120xf32, #tpu.memory_space<vmem>>, vector<1x1024xf32>
    %swap3A_147 = vector.shape_cast %swap3A_146 : vector<1x1024xf32> to vector<1024xf32>
    %swap3A_148 = vector.shape_cast %reduce_sum3A_137 : vector<1024xf32> to vector<1x1024xf32>
    tpu.vector_store %arg6[%swap3A_144, %swap3A_145], %swap3A_148 {strides = array<i32>} : memref<1x5120xf32, #tpu.memory_space<vmem>>, vector<1x1024xf32>,
    %iota3A_149 = tpu.iota {dimensions = array<i32: 1>} : vector<2048x1024xi32>
    %add3A_150 = arith.constant 1024 : i32
    %add3A_151 = vector.broadcast %add3A_150 : i32 to vector<2048x1024xi32>
    %add3A_152 = arith.addi %iota3A_149, %add3A_151 : vector<2048x1024xi32>
    %broadcast_in_dim3A_153 = vector.shape_cast %convert_element_type3A_76 : vector<2048xi32> to vector<2048x1xi32>
    %eq3A_154 = vector.broadcast %broadcast_in_dim3A_153 : vector<2048x1xi32> to vector<2048x1024xi32>
    %eq3A_155 = arith.cmpi eq, %eq3A_154, %add3A_152 : vector<2048x1024xi32>
    %broadcast_in_dim3A_156 = vector.shape_cast %convert_element_type3A_78 : vector<2048xi32> to vector<2048x1xi32>
    %eq3A_157 = vector.broadcast %broadcast_in_dim3A_156 : vector<2048x1xi32> to vector<2048x1024xi32>
    %eq3A_158 = arith.cmpi eq, %eq3A_157, %add3A_152 : vector<2048x1024xi32>
    %or3A_159 = arith.ori %eq3A_155, %eq3A_158 : vector<2048x1024xi1>
    %jit3A_160 = arith.constant 0.000000e+00 : f32
    %broadcast_in_dim3A_161 = vector.broadcast %jit3A_160 : f32 to vector<2048x1024xf32>
    %select_n3A_162 = arith.select %or3A_159, %convert_element_type3A_107, %broadcast_in_dim3A_161 : vector<2048x1024xi1>, vector<2048x1024xf32>
    %reduce_sum3A_163 = arith.constant dense<0.000000e+00> : vector<1024xf32>
    %reduce_sum3A_164 = vector.multi_reduction <add>, %select_n3A_162, %reduce_sum3A_163 [0] : vector<2048x1024xf32> to vector<1024xf32>
    %broadcast_in_dim3A_165 = vector.shape_cast %reduce_max3A_32 : vector<2048xf32> to vector<2048x1xf32>
    %jit3A_166 = arith.constant 0.000000e+00 : f32
    %broadcast_in_dim3A_167 = vector.shape_cast %broadcast_in_dim3A_165 : vector<2048x1xf32> to vector<2048x1xf32>
    %broadcast_in_dim3A_168 = vector.broadcast %broadcast_in_dim3A_167 : vector<2048x1xf32> to vector<2048x1024xf32>
    %broadcast_in_dim3A_169 = vector.broadcast %jit3A_166 : f32 to vector<2048x1024xf32>
    %select_n3A_170 = arith.select %eq3A_155, %broadcast_in_dim3A_168, %broadcast_in_dim3A_169 : vector<2048x1024xi1>, vector<2048x1024xf32>
    %broadcast_in_dim3A_171 = vector.shape_cast %reduce_max3A_34 : vector<2048xf32> to vector<2048x1xf32>
    %jit3A_172 = arith.constant 0.000000e+00 : f32
    %broadcast_in_dim3A_173 = vector.shape_cast %broadcast_in_dim3A_171 : vector<2048x1xf32> to vector<2048x1xf32>
    %broadcast_in_dim3A_174 = vector.broadcast %broadcast_in_dim3A_173 : vector<2048x1xf32> to vector<2048x1024xf32>
    %broadcast_in_dim3A_175 = vector.broadcast %jit3A_172 : f32 to vector<2048x1024xf32>
    %select_n3A_176 = arith.select %eq3A_158, %broadcast_in_dim3A_174, %broadcast_in_dim3A_175 : vector<2048x1024xi1>, vector<2048x1024xf32>
    %add3A_177 = arith.addf %select_n3A_170, %select_n3A_176 : vector<2048x1024xf32>
    %reduce_sum3A_178 = arith.constant dense<0.000000e+00> : vector<1024xf32>
    %reduce_sum3A_179 = vector.multi_reduction <add>, %add3A_177, %reduce_sum3A_178 [0] : vector<2048x1024xf32> to vector<1024xf32>
    %convert_element_type3A_180 = arith.fptosi %reduce_sum3A_164 : vector<1024xf32> to vector<1024xi32>
    %swap3A_181 = arith.constant 0 : index
    %swap3A_182 = arith.constant 1024 : index
    %swap3A_183 = vector.load %arg5[%swap3A_181, %swap3A_182] : memref<1x5120xi32, #tpu.memory_space<vmem>>, vector<1x1024xi32>
    %swap3A_184 = vector.shape_cast %swap3A_183 : vector<1x1024xi32> to vector<1024xi32>
    %swap3A_185 = vector.shape_cast %convert_element_type3A_180 : vector<1024xi32> to vector<1x1024xi32>
    tpu.vector_store %arg5[%swap3A_181, %swap3A_182], %swap3A_185 {strides = array<i32>} : memref<1x5120xi32, #tpu.memory_space<vmem>>, vector<1x1024xi32>,
    %swap3A_186 = arith.constant 0 : index
    %swap3A_187 = arith.constant 1024 : index
    %swap3A_188 = vector.load %arg6[%swap3A_186, %swap3A_187] : memref<1x5120xf32, #tpu.memory_space<vmem>>, vector<1x1024xf32>
    %swap3A_189 = vector.shape_cast %swap3A_188 : vector<1x1024xf32> to vector<1024xf32>
    %swap3A_190 = vector.shape_cast %reduce_sum3A_179 : vector<1024xf32> to vector<1x1024xf32>
    tpu.vector_store %arg6[%swap3A_186, %swap3A_187], %swap3A_190 {strides = array<i32>} : memref<1x5120xf32, #tpu.memory_space<vmem>>, vector<1x1024xf32>,
    %iota3A_191 = tpu.iota {dimensions = array<i32: 1>} : vector<2048x1024xi32>
    %add3A_192 = arith.constant 2048 : i32
    %add3A_193 = vector.broadcast %add3A_192 : i32 to vector<2048x1024xi32>
    %add3A_194 = arith.addi %iota3A_191, %add3A_193 : vector<2048x1024xi32>
    %broadcast_in_dim3A_195 = vector.shape_cast %convert_element_type3A_76 : vector<2048xi32> to vector<2048x1xi32>
    %eq3A_196 = vector.broadcast %broadcast_in_dim3A_195 : vector<2048x1xi32> to vector<2048x1024xi32>
    %eq3A_197 = arith.cmpi eq, %eq3A_196, %add3A_194 : vector<2048x1024xi32>
    %broadcast_in_dim3A_198 = vector.shape_cast %convert_element_type3A_78 : vector<2048xi32> to vector<2048x1xi32>
    %eq3A_199 = vector.broadcast %broadcast_in_dim3A_198 : vector<2048x1xi32> to vector<2048x1024xi32>
    %eq3A_200 = arith.cmpi eq, %eq3A_199, %add3A_194 : vector<2048x1024xi32>
    %or3A_201 = arith.ori %eq3A_197, %eq3A_200 : vector<2048x1024xi1>
    %jit3A_202 = arith.constant 0.000000e+00 : f32
    %broadcast_in_dim3A_203 = vector.broadcast %jit3A_202 : f32 to vector<2048x1024xf32>
    %select_n3A_204 = arith.select %or3A_201, %convert_element_type3A_107, %broadcast_in_dim3A_203 : vector<2048x1024xi1>, vector<2048x1024xf32>
    %reduce_sum3A_205 = arith.constant dense<0.000000e+00> : vector<1024xf32>
    %reduce_sum3A_206 = vector.multi_reduction <add>, %select_n3A_204, %reduce_sum3A_205 [0] : vector<2048x1024xf32> to vector<1024xf32>
    %broadcast_in_dim3A_207 = vector.shape_cast %reduce_max3A_32 : vector<2048xf32> to vector<2048x1xf32>
    %jit3A_208 = arith.constant 0.000000e+00 : f32
    %broadcast_in_dim3A_209 = vector.shape_cast %broadcast_in_dim3A_207 : vector<2048x1xf32> to vector<2048x1xf32>
    %broadcast_in_dim3A_210 = vector.broadcast %broadcast_in_dim3A_209 : vector<2048x1xf32> to vector<2048x1024xf32>
    %broadcast_in_dim3A_211 = vector.broadcast %jit3A_208 : f32 to vector<2048x1024xf32>
    %select_n3A_212 = arith.select %eq3A_197, %broadcast_in_dim3A_210, %broadcast_in_dim3A_211 : vector<2048x1024xi1>, vector<2048x1024xf32>
    %broadcast_in_dim3A_213 = vector.shape_cast %reduce_max3A_34 : vector<2048xf32> to vector<2048x1xf32>
    %jit3A_214 = arith.constant 0.000000e+00 : f32
    %broadcast_in_dim3A_215 = vector.shape_cast %broadcast_in_dim3A_213 : vector<2048x1xf32> to vector<2048x1xf32>
    %broadcast_in_dim3A_216 = vector.broadcast %broadcast_in_dim3A_215 : vector<2048x1xf32> to vector<2048x1024xf32>
    %broadcast_in_dim3A_217 = vector.broadcast %jit3A_214 : f32 to vector<2048x1024xf32>
    %select_n3A_218 = arith.select %eq3A_200, %broadcast_in_dim3A_216, %broadcast_in_dim3A_217 : vector<2048x1024xi1>, vector<2048x1024xf32>
    %add3A_219 = arith.addf %select_n3A_212, %select_n3A_218 : vector<2048x1024xf32>
    %reduce_sum3A_220 = arith.constant dense<0.000000e+00> : vector<1024xf32>
    %reduce_sum3A_221 = vector.multi_reduction <add>, %add3A_219, %reduce_sum3A_220 [0] : vector<2048x1024xf32> to vector<1024xf32>
    %convert_element_type3A_222 = arith.fptosi %reduce_sum3A_206 : vector<1024xf32> to vector<1024xi32>
    %swap3A_223 = arith.constant 0 : index
    %swap3A_224 = arith.constant 2048 : index
    %swap3A_225 = vector.load %arg5[%swap3A_223, %swap3A_224] : memref<1x5120xi32, #tpu.memory_space<vmem>>, vector<1x1024xi32>
    %swap3A_226 = vector.shape_cast %swap3A_225 : vector<1x1024xi32> to vector<1024xi32>
    %swap3A_227 = vector.shape_cast %convert_element_type3A_222 : vector<1024xi32> to vector<1x1024xi32>
    tpu.vector_store %arg5[%swap3A_223, %swap3A_224], %swap3A_227 {strides = array<i32>} : memref<1x5120xi32, #tpu.memory_space<vmem>>, vector<1x1024xi32>,
    %swap3A_228 = arith.constant 0 : index
    %swap3A_229 = arith.constant 2048 : index
    %swap3A_230 = vector.load %arg6[%swap3A_228, %swap3A_229] : memref<1x5120xf32, #tpu.memory_space<vmem>>, vector<1x1024xf32>
    %swap3A_231 = vector.shape_cast %swap3A_230 : vector<1x1024xf32> to vector<1024xf32>
    %swap3A_232 = vector.shape_cast %reduce_sum3A_221 : vector<1024xf32> to vector<1x1024xf32>
    tpu.vector_store %arg6[%swap3A_228, %swap3A_229], %swap3A_232 {strides = array<i32>} : memref<1x5120xf32, #tpu.memory_space<vmem>>, vector<1x1024xf32>,
    %iota3A_233 = tpu.iota {dimensions = array<i32: 1>} : vector<2048x1024xi32>
    %add3A_234 = arith.constant 3072 : i32
    %add3A_235 = vector.broadcast %add3A_234 : i32 to vector<2048x1024xi32>
    %add3A_236 = arith.addi %iota3A_233, %add3A_235 : vector<2048x1024xi32>
    %broadcast_in_dim3A_237 = vector.shape_cast %convert_element_type3A_76 : vector<2048xi32> to vector<2048x1xi32>
    %eq3A_238 = vector.broadcast %broadcast_in_dim3A_237 : vector<2048x1xi32> to vector<2048x1024xi32>
    %eq3A_239 = arith.cmpi eq, %eq3A_238, %add3A_236 : vector<2048x1024xi32>
    %broadcast_in_dim3A_240 = vector.shape_cast %convert_element_type3A_78 : vector<2048xi32> to vector<2048x1xi32>
    %eq3A_241 = vector.broadcast %broadcast_in_dim3A_240 : vector<2048x1xi32> to vector<2048x1024xi32>
    %eq3A_242 = arith.cmpi eq, %eq3A_241, %add3A_236 : vector<2048x1024xi32>
    %or3A_243 = arith.ori %eq3A_239, %eq3A_242 : vector<2048x1024xi1>
    %jit3A_244 = arith.constant 0.000000e+00 : f32
    %broadcast_in_dim3A_245 = vector.broadcast %jit3A_244 : f32 to vector<2048x1024xf32>
    %select_n3A_246 = arith.select %or3A_243, %convert_element_type3A_107, %broadcast_in_dim3A_245 : vector<2048x1024xi1>, vector<2048x1024xf32>
    %reduce_sum3A_247 = arith.constant dense<0.000000e+00> : vector<1024xf32>
    %reduce_sum3A_248 = vector.multi_reduction <add>, %select_n3A_246, %reduce_sum3A_247 [0] : vector<2048x1024xf32> to vector<1024xf32>
    %broadcast_in_dim3A_249 = vector.shape_cast %reduce_max3A_32 : vector<2048xf32> to vector<2048x1xf32>
    %jit3A_250 = arith.constant 0.000000e+00 : f32
    %broadcast_in_dim3A_251 = vector.shape_cast %broadcast_in_dim3A_249 : vector<2048x1xf32> to vector<2048x1xf32>
    %broadcast_in_dim3A_252 = vector.broadcast %broadcast_in_dim3A_251 : vector<2048x1xf32> to vector<2048x1024xf32>
    %broadcast_in_dim3A_253 = vector.broadcast %jit3A_250 : f32 to vector<2048x1024xf32>
    %select_n3A_254 = arith.select %eq3A_239, %broadcast_in_dim3A_252, %broadcast_in_dim3A_253 : vector<2048x1024xi1>, vector<2048x1024xf32>
    %broadcast_in_dim3A_255 = vector.shape_cast %reduce_max3A_34 : vector<2048xf32> to vector<2048x1xf32>
    %jit3A_256 = arith.constant 0.000000e+00 : f32
    %broadcast_in_dim3A_257 = vector.shape_cast %broadcast_in_dim3A_255 : vector<2048x1xf32> to vector<2048x1xf32>
    %broadcast_in_dim3A_258 = vector.broadcast %broadcast_in_dim3A_257 : vector<2048x1xf32> to vector<2048x1024xf32>
    %broadcast_in_dim3A_259 = vector.broadcast %jit3A_256 : f32 to vector<2048x1024xf32>
    %select_n3A_260 = arith.select %eq3A_242, %broadcast_in_dim3A_258, %broadcast_in_dim3A_259 : vector<2048x1024xi1>, vector<2048x1024xf32>
    %add3A_261 = arith.addf %select_n3A_254, %select_n3A_260 : vector<2048x1024xf32>
    %reduce_sum3A_262 = arith.constant dense<0.000000e+00> : vector<1024xf32>
    %reduce_sum3A_263 = vector.multi_reduction <add>, %add3A_261, %reduce_sum3A_262 [0] : vector<2048x1024xf32> to vector<1024xf32>
    %convert_element_type3A_264 = arith.fptosi %reduce_sum3A_248 : vector<1024xf32> to vector<1024xi32>
    %swap3A_265 = arith.constant 0 : index
    %swap3A_266 = arith.constant 3072 : index
    %swap3A_267 = vector.load %arg5[%swap3A_265, %swap3A_266] : memref<1x5120xi32, #tpu.memory_space<vmem>>, vector<1x1024xi32>
    %swap3A_268 = vector.shape_cast %swap3A_267 : vector<1x1024xi32> to vector<1024xi32>
    %swap3A_269 = vector.shape_cast %convert_element_type3A_264 : vector<1024xi32> to vector<1x1024xi32>
    tpu.vector_store %arg5[%swap3A_265, %swap3A_266], %swap3A_269 {strides = array<i32>} : memref<1x5120xi32, #tpu.memory_space<vmem>>, vector<1x1024xi32>,
    %swap3A_270 = arith.constant 0 : index
    %swap3A_271 = arith.constant 3072 : index
    %swap3A_272 = vector.load %arg6[%swap3A_270, %swap3A_271] : memref<1x5120xf32, #tpu.memory_space<vmem>>, vector<1x1024xf32>
    %swap3A_273 = vector.shape_cast %swap3A_272 : vector<1x1024xf32> to vector<1024xf32>
    %swap3A_274 = vector.shape_cast %reduce_sum3A_263 : vector<1024xf32> to vector<1x1024xf32>
    tpu.vector_store %arg6[%swap3A_270, %swap3A_271], %swap3A_274 {strides = array<i32>} : memref<1x5120xf32, #tpu.memory_space<vmem>>, vector<1x1024xf32>,
    %iota3A_275 = tpu.iota {dimensions = array<i32: 1>} : vector<2048x1024xi32>
    %add3A_276 = arith.constant 4096 : i32
    %add3A_277 = vector.broadcast %add3A_276 : i32 to vector<2048x1024xi32>
    %add3A_278 = arith.addi %iota3A_275, %add3A_277 : vector<2048x1024xi32>
    %broadcast_in_dim3A_279 = vector.shape_cast %convert_element_type3A_76 : vector<2048xi32> to vector<2048x1xi32>
    %eq3A_280 = vector.broadcast %broadcast_in_dim3A_279 : vector<2048x1xi32> to vector<2048x1024xi32>
    %eq3A_281 = arith.cmpi eq, %eq3A_280, %add3A_278 : vector<2048x1024xi32>
    %broadcast_in_dim3A_282 = vector.shape_cast %convert_element_type3A_78 : vector<2048xi32> to vector<2048x1xi32>
    %eq3A_283 = vector.broadcast %broadcast_in_dim3A_282 : vector<2048x1xi32> to vector<2048x1024xi32>
    %eq3A_284 = arith.cmpi eq, %eq3A_283, %add3A_278 : vector<2048x1024xi32>
    %or3A_285 = arith.ori %eq3A_281, %eq3A_284 : vector<2048x1024xi1>
    %jit3A_286 = arith.constant 0.000000e+00 : f32
    %broadcast_in_dim3A_287 = vector.broadcast %jit3A_286 : f32 to vector<2048x1024xf32>
    %select_n3A_288 = arith.select %or3A_285, %convert_element_type3A_107, %broadcast_in_dim3A_287 : vector<2048x1024xi1>, vector<2048x1024xf32>
    %reduce_sum3A_289 = arith.constant dense<0.000000e+00> : vector<1024xf32>
    %reduce_sum3A_290 = vector.multi_reduction <add>, %select_n3A_288, %reduce_sum3A_289 [0] : vector<2048x1024xf32> to vector<1024xf32>
    %broadcast_in_dim3A_291 = vector.shape_cast %reduce_max3A_32 : vector<2048xf32> to vector<2048x1xf32>
    %jit3A_292 = arith.constant 0.000000e+00 : f32
    %broadcast_in_dim3A_293 = vector.shape_cast %broadcast_in_dim3A_291 : vector<2048x1xf32> to vector<2048x1xf32>
    %broadcast_in_dim3A_294 = vector.broadcast %broadcast_in_dim3A_293 : vector<2048x1xf32> to vector<2048x1024xf32>
    %broadcast_in_dim3A_295 = vector.broadcast %jit3A_292 : f32 to vector<2048x1024xf32>
    %select_n3A_296 = arith.select %eq3A_281, %broadcast_in_dim3A_294, %broadcast_in_dim3A_295 : vector<2048x1024xi1>, vector<2048x1024xf32>
    %broadcast_in_dim3A_297 = vector.shape_cast %reduce_max3A_34 : vector<2048xf32> to vector<2048x1xf32>
    %jit3A_298 = arith.constant 0.000000e+00 : f32
    %broadcast_in_dim3A_299 = vector.shape_cast %broadcast_in_dim3A_297 : vector<2048x1xf32> to vector<2048x1xf32>
    %broadcast_in_dim3A_300 = vector.broadcast %broadcast_in_dim3A_299 : vector<2048x1xf32> to vector<2048x1024xf32>
    %broadcast_in_dim3A_301 = vector.broadcast %jit3A_298 : f32 to vector<2048x1024xf32>
    %select_n3A_302 = arith.select %eq3A_284, %broadcast_in_dim3A_300, %broadcast_in_dim3A_301 : vector<2048x1024xi1>, vector<2048x1024xf32>
    %add3A_303 = arith.addf %select_n3A_296, %select_n3A_302 : vector<2048x1024xf32>
    %reduce_sum3A_304 = arith.constant dense<0.000000e+00> : vector<1024xf32>
    %reduce_sum3A_305 = vector.multi_reduction <add>, %add3A_303, %reduce_sum3A_304 [0] : vector<2048x1024xf32> to vector<1024xf32>
    %convert_element_type3A_306 = arith.fptosi %reduce_sum3A_290 : vector<1024xf32> to vector<1024xi32>
    %swap3A_307 = arith.constant 0 : index
    %swap3A_308 = arith.constant 4096 : index
    %swap3A_309 = vector.load %arg5[%swap3A_307, %swap3A_308] : memref<1x5120xi32, #tpu.memory_space<vmem>>, vector<1x1024xi32>
    %swap3A_310 = vector.shape_cast %swap3A_309 : vector<1x1024xi32> to vector<1024xi32>
    %swap3A_311 = vector.shape_cast %convert_element_type3A_306 : vector<1024xi32> to vector<1x1024xi32>
    tpu.vector_store %arg5[%swap3A_307, %swap3A_308], %swap3A_311 {strides = array<i32>} : memref<1x5120xi32, #tpu.memory_space<vmem>>, vector<1x1024xi32>,
    %swap3A_312 = arith.constant 0 : index
    %swap3A_313 = arith.constant 4096 : index
    %swap3A_314 = vector.load %arg6[%swap3A_312, %swap3A_313] : memref<1x5120xf32, #tpu.memory_space<vmem>>, vector<1x1024xf32>
    %swap3A_315 = vector.shape_cast %swap3A_314 : vector<1x1024xf32> to vector<1024xf32>
    %swap3A_316 = vector.shape_cast %reduce_sum3A_305 : vector<1024xf32> to vector<1x1024xf32>
    tpu.vector_store %arg6[%swap3A_312, %swap3A_313], %swap3A_316 {strides = array<i32>} : memref<1x5120xf32, #tpu.memory_space<vmem>>, vector<1x1024xf32>,
    return
  }
}

module attributes {stable_mosaic.version = 14 : i64} {
  func.func @_combine_body(%arg0: i32, %arg1: memref<256x8xf32, #tpu.memory_space<vmem>>, %arg2: memref<8x1024xf32, #tpu.memory_space<vmem>>, %arg3: memref<256x1024xf32, #tpu.memory_space<vmem>>) attributes {dimension_semantics = [#tpu.dimension_semantics<arbitrary>], iteration_bounds = array<i64: 8>, scalar_prefetch = 0 : i64, scratch_operands = 0 : i64, tpu.core_type = #tpu.core_type<tc>, window_params = [{transform_indices = @transform_0, window_bounds = array<i64: 256, 8>}, {pipeline_mode = #tpu.pipeline_mode<synchronous>, transform_indices = @transform_1, window_bounds = array<i64: 8, 1024>}, {transform_indices = @transform_2, window_bounds = array<i64: 256, 1024>}]} {
    %get3A = arith.constant 0 : index
    %get3A_0 = arith.constant 0 : index
    %get3A_1 = vector.load %arg1[%get3A, %get3A_0] : memref<256x8xf32, #tpu.memory_space<vmem>>, vector<256x8xf32>
    %get3A_2 = arith.constant 0 : index
    %get3A_3 = arith.constant 0 : index
    %get3A_4 = vector.load %arg2[%get3A_2, %get3A_3] : memref<8x1024xf32, #tpu.memory_space<vmem>>, vector<8x1024xf32>
    %dot_general3A = arith.constant dense<0.000000e+00> : vector<256x1024xf32>
    %dot_general3A_5 = tpu.matmul %get3A_1, %get3A_4, %dot_general3A {dimension_numbers = #tpu.dot_dimension_numbers<[1], [0], [0], [1], [0, 0, 1, 1], [], []>, transpose_lhs_hint = false} : vector<256x8xf32>, vector<8x1024xf32>, vector<256x1024xf32> -> vector<256x1024xf32>
    %swap3A = arith.constant 0 : index
    %swap3A_6 = arith.constant 0 : index
    %swap3A_7 = vector.load %arg3[%swap3A, %swap3A_6] : memref<256x1024xf32, #tpu.memory_space<vmem>>, vector<256x1024xf32>
    tpu.vector_store %arg3[%swap3A, %swap3A_6], %dot_general3A_5 {strides = array<i32>} : memref<256x1024xf32, #tpu.memory_space<vmem>>, vector<256x1024xf32>,
    return
  }
  func.func @transform_0(%arg0: i32) -> (i32, i32) {
    %c0_i32 = arith.constant 0 : i32
    %c0_i32_0 = arith.constant 0 : i32
    return %arg0, %c0_i32 : i32, i32
  }
  func.func @transform_1(%arg0: i32) -> (i32, i32) {
    %c0_i32 = arith.constant 0 : i32
    %c0_i32_0 = arith.constant 0 : i32
    %c0_i32_1 = arith.constant 0 : i32
    return %c0_i32, %c0_i32_0 : i32, i32
  }
  func.func @transform_2(%arg0: i32) -> (i32, i32) {
    %c0_i32 = arith.constant 0 : i32
    %c0_i32_0 = arith.constant 0 : i32
    return %arg0, %c0_i32 : i32, i32
  }
}

module attributes {stable_mosaic.version = 14 : i64} {
  func.func @_mlp_body(%arg0: i32, %arg1: memref<1x48xi32, #tpu.memory_space<smem>>, %arg2: memref<128x1024xf32, #tpu.memory_space<vmem>>, %arg3: memref<1x1024x1024xf32, #tpu.memory_space<vmem>>, %arg4: memref<1x1x1024xf32, #tpu.memory_space<vmem>>, %arg5: memref<1x1024x1024xf32, #tpu.memory_space<vmem>>, %arg6: memref<1x1x1024xf32, #tpu.memory_space<vmem>>, %arg7: memref<1x1024x1024xf32, #tpu.memory_space<vmem>>, %arg8: memref<1x1x1024xf32, #tpu.memory_space<vmem>>, %arg9: memref<1x128x1xf32, #tpu.memory_space<vmem>>, %arg10: memref<8x1024xf32, #tpu.memory_space<vmem>>) attributes {dimension_semantics = [#tpu.dimension_semantics<arbitrary>], iteration_bounds = array<i64: 40>, scalar_prefetch = 1 : i64, scratch_operands = 0 : i64, tpu.core_type = #tpu.core_type<tc>, window_params = [{transform_indices = @transform_0, window_bounds = array<i64: 128, 1024>}, {transform_indices = @transform_1, window_bounds = array<i64: 1, 1024, 1024>}, {transform_indices = @transform_2, window_bounds = array<i64: 1, 1, 1024>}, {transform_indices = @transform_3, window_bounds = array<i64: 1, 1024, 1024>}, {transform_indices = @transform_4, window_bounds = array<i64: 1, 1, 1024>}, {transform_indices = @transform_5, window_bounds = array<i64: 1, 1024, 1024>}, {transform_indices = @transform_6, window_bounds = array<i64: 1, 1, 1024>}, {transform_indices = @transform_7, window_bounds = array<i64: 1, 128, 1>}, {pipeline_mode = #tpu.pipeline_mode<synchronous>, transform_indices = @transform_8, window_bounds = array<i64: 8, 1024>}]} {
    %eq3A = arith.constant 0 : i32
    %eq3A_0 = arith.cmpi eq, %arg0, %eq3A : i32
    %convert_element_type3A = arith.extui %eq3A_0 : i1 to i32
    %cond3A = arith.constant 0 : i32
    %cond3A_1 = arith.cmpi ne, %convert_element_type3A, %cond3A : i32
    scf.if %cond3A_1 {
      %broadcast_in_dim3A_77 = arith.constant 0.000000e+00 : f32
      %broadcast_in_dim3A_78 = vector.broadcast %broadcast_in_dim3A_77 : f32 to vector<8x1024xf32>
      %swap3A_79 = arith.constant 0 : index
      %swap3A_80 = arith.constant 0 : index
      %swap3A_81 = vector.load %arg10[%swap3A_79, %swap3A_80] : memref<8x1024xf32, #tpu.memory_space<vmem>>, vector<8x1024xf32>
      tpu.vector_store %arg10[%swap3A_79, %swap3A_80], %broadcast_in_dim3A_78 {strides = array<i32>} : memref<8x1024xf32, #tpu.memory_space<vmem>>, vector<8x1024xf32>,
    } else {
    }
    %get3A = arith.constant 0 : index
    %get3A_2 = arith.constant 0 : index
    %get3A_3 = vector.load %arg2[%get3A, %get3A_2] : memref<128x1024xf32, #tpu.memory_space<vmem>>, vector<128x1024xf32>
    %get3A_4 = arith.constant 0 : index
    %get3A_5 = arith.constant 0 : index
    %get3A_6 = arith.constant 0 : index
    %get3A_7 = vector.load %arg3[%get3A_4, %get3A_5, %get3A_6] : memref<1x1024x1024xf32, #tpu.memory_space<vmem>>, vector<1x1024x1024xf32>
    %get3A_8 = vector.shape_cast %get3A_7 : vector<1x1024x1024xf32> to vector<1024x1024xf32>
    %transpose3A = tpu.transpose %get3A_8, [1, 0] : vector<1024x1024xf32> -> vector<1024x1024xf32>
    %dot_general3A = arith.constant dense<0.000000e+00> : vector<128x1024xf32>
    %dot_general3A_9 = tpu.matmul %get3A_3, %transpose3A, %dot_general3A {dimension_numbers = #tpu.dot_dimension_numbers<[1], [0], [0], [1], [0, 0, 1, 1], [], []>, transpose_lhs_hint = false} : vector<128x1024xf32>, vector<1024x1024xf32>, vector<128x1024xf32> -> vector<128x1024xf32>
    %get3A_10 = arith.constant 0 : index
    %get3A_11 = arith.constant 0 : index
    %get3A_12 = arith.constant 0 : index
    %get3A_13 = vector.load %arg4[%get3A_10, %get3A_11, %get3A_12] : memref<1x1x1024xf32, #tpu.memory_space<vmem>>, vector<1x1x1024xf32>
    %get3A_14 = vector.shape_cast %get3A_13 : vector<1x1x1024xf32> to vector<1x1024xf32>
    %add3A = vector.broadcast %get3A_14 : vector<1x1024xf32> to vector<128x1024xf32>
    %add3A_15 = arith.addf %dot_general3A_9, %add3A : vector<128x1024xf32>
    %max3A = arith.constant 0.000000e+00 : f32
    %max3A_16 = vector.broadcast %max3A : f32 to vector<128x1024xf32>
    %max3A_17 = arith.maximumf %add3A_15, %max3A_16 : vector<128x1024xf32>
    %get3A_18 = arith.constant 0 : index
    %get3A_19 = arith.constant 0 : index
    %get3A_20 = arith.constant 0 : index
    %get3A_21 = vector.load %arg5[%get3A_18, %get3A_19, %get3A_20] : memref<1x1024x1024xf32, #tpu.memory_space<vmem>>, vector<1x1024x1024xf32>
    %get3A_22 = vector.shape_cast %get3A_21 : vector<1x1024x1024xf32> to vector<1024x1024xf32>
    %transpose3A_23 = tpu.transpose %get3A_22, [1, 0] : vector<1024x1024xf32> -> vector<1024x1024xf32>
    %dot_general3A_24 = arith.constant dense<0.000000e+00> : vector<128x1024xf32>
    %dot_general3A_25 = tpu.matmul %max3A_17, %transpose3A_23, %dot_general3A_24 {dimension_numbers = #tpu.dot_dimension_numbers<[1], [0], [0], [1], [0, 0, 1, 1], [], []>, transpose_lhs_hint = false} : vector<128x1024xf32>, vector<1024x1024xf32>, vector<128x1024xf32> -> vector<128x1024xf32>
    %get3A_26 = arith.constant 0 : index
    %get3A_27 = arith.constant 0 : index
    %get3A_28 = arith.constant 0 : index
    %get3A_29 = vector.load %arg6[%get3A_26, %get3A_27, %get3A_28] : memref<1x1x1024xf32, #tpu.memory_space<vmem>>, vector<1x1x1024xf32>
    %get3A_30 = vector.shape_cast %get3A_29 : vector<1x1x1024xf32> to vector<1x1024xf32>
    %add3A_31 = vector.broadcast %get3A_30 : vector<1x1024xf32> to vector<128x1024xf32>
    %add3A_32 = arith.addf %dot_general3A_25, %add3A_31 : vector<128x1024xf32>
    %max3A_33 = arith.constant 0.000000e+00 : f32
    %max3A_34 = vector.broadcast %max3A_33 : f32 to vector<128x1024xf32>
    %max3A_35 = arith.maximumf %add3A_32, %max3A_34 : vector<128x1024xf32>
    %get3A_36 = arith.constant 0 : index
    %get3A_37 = arith.constant 0 : index
    %get3A_38 = arith.constant 0 : index
    %get3A_39 = vector.load %arg7[%get3A_36, %get3A_37, %get3A_38] : memref<1x1024x1024xf32, #tpu.memory_space<vmem>>, vector<1x1024x1024xf32>
    %get3A_40 = vector.shape_cast %get3A_39 : vector<1x1024x1024xf32> to vector<1024x1024xf32>
    %transpose3A_41 = tpu.transpose %get3A_40, [1, 0] : vector<1024x1024xf32> -> vector<1024x1024xf32>
    %dot_general3A_42 = arith.constant dense<0.000000e+00> : vector<128x1024xf32>
    %dot_general3A_43 = tpu.matmul %max3A_35, %transpose3A_41, %dot_general3A_42 {dimension_numbers = #tpu.dot_dimension_numbers<[1], [0], [0], [1], [0, 0, 1, 1], [], []>, transpose_lhs_hint = false} : vector<128x1024xf32>, vector<1024x1024xf32>, vector<128x1024xf32> -> vector<128x1024xf32>
    %get3A_44 = arith.constant 0 : index
    %get3A_45 = arith.constant 0 : index
    %get3A_46 = arith.constant 0 : index
    %get3A_47 = vector.load %arg8[%get3A_44, %get3A_45, %get3A_46] : memref<1x1x1024xf32, #tpu.memory_space<vmem>>, vector<1x1x1024xf32>
    %get3A_48 = vector.shape_cast %get3A_47 : vector<1x1x1024xf32> to vector<1x1024xf32>
    %add3A_49 = vector.broadcast %get3A_48 : vector<1x1024xf32> to vector<128x1024xf32>
    %add3A_50 = arith.addf %dot_general3A_43, %add3A_49 : vector<128x1024xf32>
    %max3A_51 = arith.constant 0.000000e+00 : f32
    %max3A_52 = vector.broadcast %max3A_51 : f32 to vector<128x1024xf32>
    %max3A_53 = arith.maximumf %add3A_50, %max3A_52 : vector<128x1024xf32>
    %get3A_54 = arith.constant 0 : index
    %get3A_55 = arith.constant 0 : index
    %get3A_56 = arith.constant 0 : index
    %get3A_57 = vector.load %arg9[%get3A_54, %get3A_55, %get3A_56] : memref<1x128x1xf32, #tpu.memory_space<vmem>>, vector<1x128x1xf32>
    %get3A_58 = vector.shape_cast %get3A_57 : vector<1x128x1xf32> to vector<128x1xf32>
    %mul3A = vector.broadcast %get3A_58 : vector<128x1xf32> to vector<128x1024xf32>
    %mul3A_59 = arith.mulf %max3A_53, %mul3A : vector<128x1024xf32>
    %reduce_sum3A = arith.constant dense<0.000000e+00> : vector<1024xf32>
    %reduce_sum3A_60 = vector.multi_reduction <add>, %mul3A_59, %reduce_sum3A [0] : vector<128x1024xf32> to vector<1024xf32>
    %broadcast_in_dim3A = vector.shape_cast %reduce_sum3A_60 : vector<1024xf32> to vector<1x1024xf32>
    %iota3A = tpu.iota {dimensions = array<i32: 0>} : vector<8x1xi32>
    %get3A_61 = arith.constant 0 : index
    %get3A_62 = arith.index_cast %arg0 : i32 to index
    %get3A_63 = memref.load %arg1[%get3A_61, %get3A_62] : memref<1x48xi32, #tpu.memory_space<smem>>
    %eq3A_64 = vector.broadcast %get3A_63 : i32 to vector<8x1xi32>
    %eq3A_65 = arith.cmpi eq, %iota3A, %eq3A_64 : vector<8x1xi32>
    %convert_element_type3A_66 = arith.extui %eq3A_65 : vector<8x1xi1> to vector<8x1xi32>
    %convert_element_type3A_67 = arith.sitofp %convert_element_type3A_66 : vector<8x1xi32> to vector<8x1xf32>
    %get3A_68 = arith.constant 0 : index
    %get3A_69 = arith.constant 0 : index
    %get3A_70 = vector.load %arg10[%get3A_68, %get3A_69] : memref<8x1024xf32, #tpu.memory_space<vmem>>, vector<8x1024xf32>
    %mul3A_71 = vector.broadcast %convert_element_type3A_67 : vector<8x1xf32> to vector<8x1024xf32>
    %mul3A_72 = vector.broadcast %broadcast_in_dim3A : vector<1x1024xf32> to vector<8x1024xf32>
    %mul3A_73 = arith.mulf %mul3A_71, %mul3A_72 : vector<8x1024xf32>
    %add3A_74 = arith.addf %get3A_70, %mul3A_73 : vector<8x1024xf32>
    %swap3A = arith.constant 0 : index
    %swap3A_75 = arith.constant 0 : index
    %swap3A_76 = vector.load %arg10[%swap3A, %swap3A_75] : memref<8x1024xf32, #tpu.memory_space<vmem>>, vector<8x1024xf32>
    tpu.vector_store %arg10[%swap3A, %swap3A_75], %add3A_74 {strides = array<i32>} : memref<8x1024xf32, #tpu.memory_space<vmem>>, vector<8x1024xf32>,
    return
  }
  func.func @transform_0(%arg0: i32, %arg1: memref<1x48xi32, #tpu.memory_space<smem>>) -> (i32, i32) {
    %c0_i32 = arith.constant 0 : i32
    %c0_i32_0 = arith.constant 0 : i32
    return %arg0, %c0_i32 : i32, i32
  }
  func.func @transform_1(%arg0: i32, %arg1: memref<1x48xi32, #tpu.memory_space<smem>>) -> (i32, i32, i32) {
    %c0_i32 = arith.constant 0 : i32
    %c0_i32_0 = arith.constant 0 : i32
    %c0_i32_1 = arith.constant 0 : i32
    %c0_i32_2 = arith.constant 0 : i32
    return %c0_i32, %c0_i32_0, %c0_i32_1 : i32, i32, i32
  }
  func.func @transform_2(%arg0: i32, %arg1: memref<1x48xi32, #tpu.memory_space<smem>>) -> (i32, i32, i32) {
    %get3A = arith.constant 0 : index
    %get3A_0 = arith.index_cast %arg0 : i32 to index
    %get3A_1 = memref.load %arg1[%get3A, %get3A_0] : memref<1x48xi32, #tpu.memory_space<smem>>
    %c0_i32 = arith.constant 0 : i32
    %c0_i32_2 = arith.constant 0 : i32
    %c0_i32_3 = arith.constant 0 : i32
    return %get3A_1, %c0_i32, %c0_i32_2 : i32, i32, i32
  }
  func.func @transform_3(%arg0: i32, %arg1: memref<1x48xi32, #tpu.memory_space<smem>>) -> (i32, i32, i32) {
    %c0_i32 = arith.constant 0 : i32
    %c0_i32_0 = arith.constant 0 : i32
    %c0_i32_1 = arith.constant 0 : i32
    %c0_i32_2 = arith.constant 0 : i32
    return %c0_i32, %c0_i32_0, %c0_i32_1 : i32, i32, i32
  }
  func.func @transform_4(%arg0: i32, %arg1: memref<1x48xi32, #tpu.memory_space<smem>>) -> (i32, i32, i32) {
    %get3A = arith.constant 0 : index
    %get3A_0 = arith.index_cast %arg0 : i32 to index
    %get3A_1 = memref.load %arg1[%get3A, %get3A_0] : memref<1x48xi32, #tpu.memory_space<smem>>
    %c0_i32 = arith.constant 0 : i32
    %c0_i32_2 = arith.constant 0 : i32
    %c0_i32_3 = arith.constant 0 : i32
    return %get3A_1, %c0_i32, %c0_i32_2 : i32, i32, i32
  }
  func.func @transform_5(%arg0: i32, %arg1: memref<1x48xi32, #tpu.memory_space<smem>>) -> (i32, i32, i32) {
    %c0_i32 = arith.constant 0 : i32
    %c0_i32_0 = arith.constant 0 : i32
    %c0_i32_1 = arith.constant 0 : i32
    %c0_i32_2 = arith.constant 0 : i32
    return %c0_i32, %c0_i32_0, %c0_i32_1 : i32, i32, i32
  }
  func.func @transform_6(%arg0: i32, %arg1: memref<1x48xi32, #tpu.memory_space<smem>>) -> (i32, i32, i32) {
    %get3A = arith.constant 0 : index
    %get3A_0 = arith.index_cast %arg0 : i32 to index
    %get3A_1 = memref.load %arg1[%get3A, %get3A_0] : memref<1x48xi32, #tpu.memory_space<smem>>
    %c0_i32 = arith.constant 0 : i32
    %c0_i32_2 = arith.constant 0 : i32
    %c0_i32_3 = arith.constant 0 : i32
    return %get3A_1, %c0_i32, %c0_i32_2 : i32, i32, i32
  }
  func.func @transform_7(%arg0: i32, %arg1: memref<1x48xi32, #tpu.memory_space<smem>>) -> (i32, i32, i32) {
    %c0_i32 = arith.constant 0 : i32
    %c0_i32_0 = arith.constant 0 : i32
    %c0_i32_1 = arith.constant 0 : i32
    return %arg0, %c0_i32, %c0_i32_0 : i32, i32, i32
  }
  func.func @transform_8(%arg0: i32, %arg1: memref<1x48xi32, #tpu.memory_space<smem>>) -> (i32, i32) {
    %c0_i32 = arith.constant 0 : i32
    %c0_i32_0 = arith.constant 0 : i32
    %c0_i32_1 = arith.constant 0 : i32
    return %c0_i32, %c0_i32_0 : i32, i32
  }
}

</mosaic_0001>

<sc_bundles>
// kernel: kernel.6.cloned.1.call-start
scs
__scs_entry_jumppad:
0x0: {  	(pc) =	sbr.rel $0x88, $3  }
0x1: {  	(tag) =	ssettag $0x0;
	lr =	simm.s32 $0x1  }
0x2: {  	[smem:$0x3F98] =	sst lr;
	_ =	strace $0xD0000000  }
0x3: {  	_ = 	snop  }
0x4: {  	_ = 	snop  }
0x5: {  	_ = 	snop  }
0x6: {  	_ = 	snop  }
0x7: {  	_ = 	snop  }
__scs_overlays_trampoline_lowered:
0x8: {  	[smem:$0x3FA7] =	sst s0  }
0x9: {  	[smem:$0x3FA8] =	sst s1  }
0xa: {  	[smem:$0x3FA9] =	sst s2  }
0xb: {  	[smem:$0x3FAA] =	sst s3  }
0xc: {  	[smem:$0x3FAB] =	sst s4  }
0xd: {  	[smem:$0x3FAC] =	sst s5  }
0xe: {  	[smem:$0x3FAD] =	sst s6  }
0xf: {  	[smem:$0x3FAE] =	sst s7  }
0x10: {  	[smem:$0x3FAF] =	sst s8  }
0x11: {  	[smem:$0x3FB0] =	sst s9;
	s0 =	simm.s32 @!p0 $0x0  }
0x12: {  	s1 =	sld [smem:$0x3F96];
	s0 =	simm.s32 @p0 $0x1  }
0x13: {  	[smem:$0x3FB1] =	sst s0;
	s0 =	simm.s32 @!p1 $0x0  }
0x14: {  	s2 =	sld [smem:$0x3F95];
	s0 =	simm.s32 @p1 $0x1  }
0x15: {  	[smem:$0x3FB2] =	sst s0;
	s0 =	simm.s32 @!p2 $0x0  }
0x16: {  	s3 =	sld [smem:$0x3FDB];
	s0 =	simm.s32 @p2 $0x1  }
0x17: {  	s4 =	simm.s32 $0x1BF5;
	[smem:$0x3FB4] =	sst s0  }
0x18: {  	s0 =	sld [smem:$0x3F97];
	_ =	swait.ge [sflag:s4], $0x0  }
0x19: {  	s7 =	sld [smem:$0x3F98]  }
0x1a: {  	s8 =	sadd.s32 $0xFFFFE003, lr  }
0x1b: {  	s9 =	sadd.s32 $0xFFFFFEF7, lr;
	s5 =	simm.s32 $0xFFFFFFFF;
	p2 =	slt.u32 s8, $0xFFFFF086  }
0x1c: {  	p1 =	slt.u32 s9, $0xF7A;
	s5 =	simm.s32 @!p2 $0x0  }
0x1d: {  	s5 =	simm.s32 @p1 $0x1;
	p0 =	seq.s32 s7, s2  }
0x1e: {  	s7 =	smul.u32 @!p0 $0xF7A, s2;
	p2 =	seq.s32 @!p0 s5, $0x0  }
0x1f: {  	s9 =	smul.u32 $0xF7A, s1;
	s8 =	simm.s32 @!p0 $0x1BF5;
	p2 =	por !p2, p0  }
0x20: {  	[sflag:s8] =	ssyncset.s32 @!p0 $0xFFFFF086;
	s6 =	sadd.s32 @!p0 s3, s7;
	s7 =	simm.s32 @!p0 $0x108  }
0x21: {  	s3 =	sadd.s32 s3, s9;
	s6 =	sadd.s32 @!p0 $0x88, s6;
	s7 =	simm.s32 @p2 $0x1082  }
0x22: {  	[simem:s7], [sflag:s8] =	dma.local @!p0 [hbm:s6], $0xF7A  }
0x23: {  	s9 =	sor.u32 $0xD0000000, s2;
	s6 =	simm.s32 $0x108;
	_ =	swait.ge @!p0 [sflag:s8], $0x0  }
0x24: {  	s3 =	sadd.s32 $0x88, s3;
	s6 =	simm.s32 @!p1 $0x1082;
	[sflag:s4] =	ssyncset.s32 $0xFFFFF086  }
0x25: {  	[simem:s6], [sflag:s4] =	dma.local [hbm:s3], $0xF7A  }
0x26: {  	[smem:$0x3F98] =	sst s1;
	(tag) =	ssettag s2;
	_ =	strace s9  }
0x27: {  	s1 =	sld [smem:$0x3FA8]  }
0x28: {  	s2 =	sld [smem:$0x3FA9]  }
0x29: {  	s4 =	sld [smem:$0x3FAB]  }
0x2a: {  	p0 =	seq.s32 s5, $0x0;
	s5 =	sld [smem:$0x3FAC]  }
0x2b: {  	s6 =	sld [smem:$0x3FAD]  }
0x2c: {  	s7 =	sld [smem:$0x3FAE]  }
0x2d: {  	s3 =	simm.s32 $0x108;
	s8 =	sld [smem:$0x3FAF]  }
0x2e: {  	s3 =	simm.s32 @!p0 $0x1082;
	s9 =	sld [smem:$0x3FB0]  }
0x2f: {  	lr =	sadd.s32 s0, s3;
	s0 =	sld [smem:$0x3FA7]  }
0x30: {  	s3 =	sld [smem:$0x3FAA]  }
0x31: {  	[smem:$0x3FB3] =	sst s10  }
0x32: {  	s10 =	sld [smem:$0x3FB1];
	_ =	sdelay $0x3  }
0x33: {  	p0 =	seq.s32 s10, $0x1;
	s10 =	sld [smem:$0x3FB3];
	_ =	sdelay $0x3  }
0x34: {  	[smem:$0x3FB3] =	sst s10  }
0x35: {  	s10 =	sld [smem:$0x3FB2];
	_ =	sdelay $0x3  }
0x36: {  	p1 =	seq.s32 s10, $0x1;
	s10 =	sld [smem:$0x3FB3];
	_ =	sdelay $0x3  }
0x37: {  	[smem:$0x3FB3] =	sst s10  }
0x38: {  	s10 =	sld [smem:$0x3FB4]  }
0x39: {  	_ = 	snop;
	(pc) =	sbr.ind lr, $3  }
0x3a: {  	_ = 	snop  }
0x3b: {  	_ = 	snop  }
0x3c: {  	p2 =	seq.s32 s10, $0x1;
	s10 =	sld [smem:$0x3FB3]  }
0x3d: {  	_ =	shalt  }
0x3e: {  	_ =	shalt  }
0x3f: {  	_ =	shalt  }
0x40: {  	_ =	shalt  }
0x41: {  	_ =	shalt  }
0x42: {  	_ =	shalt  }
0x43: {  	_ =	shalt  }
0x44: {  	_ =	shalt  }
0x45: {  	_ =	shalt  }
0x46: {  	_ =	shalt  }
0x47: {  	_ =	shalt  }
0x48: {  	_ =	shalt  }
0x49: {  	_ =	shalt  }
0x4a: {  	_ =	shalt  }
0x4b: {  	_ =	shalt  }
0x4c: {  	_ =	shalt  }
0x4d: {  	_ =	shalt  }
0x4e: {  	_ =	shalt  }
0x4f: {  	_ =	shalt  }
0x50: {  	_ =	shalt  }
0x51: {  	_ =	shalt  }
0x52: {  	_ =	shalt  }
0x53: {  	_ =	shalt  }
0x54: {  	_ =	shalt  }
0x55: {  	_ =	shalt  }
0x56: {  	_ =	shalt  }
0x57: {  	_ =	shalt  }
0x58: {  	_ =	shalt  }
0x59: {  	_ =	shalt  }
0x5a: {  	_ =	shalt  }
0x5b: {  	_ =	shalt  }
0x5c: {  	_ =	shalt  }
0x5d: {  	_ =	shalt  }
0x5e: {  	_ =	shalt  }
0x5f: {  	_ =	shalt  }
0x60: {  	_ =	shalt  }
0x61: {  	_ =	shalt  }
0x62: {  	_ =	shalt  }
0x63: {  	_ =	shalt  }
0x64: {  	_ =	shalt  }
0x65: {  	_ =	shalt  }
0x66: {  	_ =	shalt  }
0x67: {  	_ =	shalt  }
0x68: {  	_ =	shalt  }
0x69: {  	_ =	shalt  }
0x6a: {  	_ =	shalt  }
0x6b: {  	_ =	shalt  }
0x6c: {  	_ =	shalt  }
0x6d: {  	_ =	shalt  }
0x6e: {  	_ =	shalt  }
0x6f: {  	_ =	shalt  }
0x70: {  	_ =	shalt  }
0x71: {  	_ =	shalt  }
0x72: {  	_ =	shalt  }
0x73: {  	_ =	shalt  }
0x74: {  	_ =	shalt  }
0x75: {  	_ =	shalt  }
0x76: {  	_ =	shalt  }
0x77: {  	_ =	shalt  }
0x78: {  	_ =	shalt  }
0x79: {  	_ =	shalt  }
0x7a: {  	_ =	shalt  }
0x7b: {  	_ =	shalt  }
0x7c: {  	_ =	shalt  }
0x7d: {  	_ =	shalt  }
0x7e: {  	_ =	shalt  }
0x7f: {  	_ =	shalt  }
0x80: {  	_ =	shalt  }
0x81: {  	_ =	shalt  }
0x82: {  	_ =	shalt  }
0x83: {  	_ =	shalt  }
0x84: {  	_ =	shalt  }
0x85: {  	_ =	shalt  }
0x86: {  	_ =	shalt  }
0x87: {  	_ =	shalt  }
.Lfunc_end0:
.L_simem_size_0:
called_computation_lowered:
.L_overlay_start_0:
0x88: {  	s2 =	sld [smem:$0x3FD9]  }
0x89: {  	s3 =	sld [smem:$0x3FFE];
	_ =	sdelay $0x1  }
0x8a: {  	s1 =	srdreg.scid  }
0x8b: {  	s0 =	sand.u32 $0x1, s1  }
0x8c: {  	s17 =	sshll.u32 s0, $0xA;
	s2 =	sadd.s32 s3, s2  }
0x8d: {  	s2 =	sadd.s32 s2, s17  }
0x8e: {  	[smem:$0x3FBF] =	sst s2  }
0x8f: {  	_ = 	snop  }
0x90: {  	s2 =	sld [smem:$0x3FC9]  }
0x91: {  	s18 =	sld [smem:$0x3FD0];
	(tm) =	ssettm $0x1  }
0x92: {  	s4 =	sld [smem:$0x3FFB];
	_ =	sdelay $0x3  }
0x93: {  	_ =	strace s4  }
0x94: {  	s4 =	sld [smem:$0x3FFC];
	_ =	sdelay $0x3  }
0x95: {  	_ =	strace s4  }
0x96: {  	s4 =	sld [smem:$0x3FFD];
	_ =	sdelay $0x3  }
0x97: {  	_ =	strace s4  }
0x98: {  	_ =	strace $0x8FFFFFFF  }
0x99: {  	s19 =	sld [smem:$0x3FDB];
	_ =	sdelay $0x1  }
0x9a: {  	s5 =	simm.s32 $_scs_section_size  }
0x9b: {  	s6 =	simm.s32 $_size__tile_overlayer_lowered;
	s7 =	simm.s32 $_tile_overlayer_lowered  }
0x9c: {  	s22 =	simm.s32 $0x1BFF;
	s21 =	sshll.u32 s7, $0x1;
	s4 =	sadd.s32 s5, s19  }
0x9d: {  	s8 =	simm.s32 $0x0;
	s20 =	sshll.u32 s6, $0x1;
	s6 =	sadd.s32 s21, s4  }
0x9e: {  	[timem:s8], [sflag:s22] =	dma.local [hbm:s6], s20  }
0x9f: {  	_ =	swait.ge [sflag:s22], s20  }
0xa0: {  	s5 =	ssub.s32 $0x0, s20;
	[sflag:s22] =	ssyncset.done $0x0  }
0xa1: {  	[sflag:s22] =	ssyncadd.s32 s5;
	_ =	sdelay $0x1  }
0xa2: {  	s23 =	simm.s32 $0x1B8B  }
0xa3: {  	_ =	swait.ge [sflag:s23], $0x1  }
0xa4: {  	[sflag:s23] =	ssyncset.done $0x0  }
0xa5: {  	s25 =	simm.s32 $0x1B8E;
	s24 =	sld [smem:$0x3FFE];
	[sflag:s23] =	ssyncadd.s32 $0xFFFFFFFF  }
0xa6: {  	s26 =	simm.s32 $execute0_lowered;
	[smem:$0x3FD2] =	sst s25  }
0xa7: {  	s6 =	sshll.u32 s26, $0x1;
	_ =	strace $0x80000046;
	[dreg:$0x1] =	wrdreg $0xFFFFFFFF  }
0xa8: {  	s28 =	simm.s32 $_size_execute0_lowered;
	s4 =	sadd.s32 s4, s6;
	[dreg:$0x0] =	wrdreg $0x0  }
0xa9: {  	s6 =	sshll.u32 s28, $0x1;
	[dreg:$0x2] =	wrdreg s4  }
0xaa: {  	[dreg:$0x3] =	wrdreg s6  }
0xab: {  	[dreg:$0x4] =	wrdreg $0xC0  }
0xac: {  	_ =	task [dreg:s8], $0x5FFFF  }
0xad: {  	[dreg:$0x1] =	wrdreg $0xFFFFFFFF  }
0xae: {  	[dreg:$0x0] =	wrdreg $0x60  }
0xaf: {  	[dreg:$0x2] =	wrdreg s18  }
0xb0: {  	[dreg:$0x3] =	wrdreg s2  }
0xb1: {  	[dreg:$0x4] =	wrdreg s24  }
0xb2: {  	[dreg:$0x5] =	wrdreg $0x9  }
0xb3: {  	_ =	task.clear_ibuf [dreg:s8], $0x6FFFF;
	_ =	strace $0x90000046  }
0xb4: {  	s29 =	simm.s32 $0x9;
	_ =	strace $0x80000048  }
0xb5: {  	_ =	swait.ge [sflag:s29], $0x1  }
0xb6: {  	[sflag:s29] =	ssyncadd.s32 $0xFFFFFFFF  }
0xb7: {  	_ =	strace $0x90000048  }
0xb8: {  	_ =	sfence  }
0xb9: {  	s30 =	sld [smem:$0x0];
	_ =	sdelay $0x2  }
0xba: {  	s31 =	sshll.u32 s1, $0xD;
	s1 =	sshrl.u32 s1, $0x2  }
0xbb: {  	s3 =	sand.u32 $0x4000, s31;
	s1 =	sadd.s32 s1, s30  }
0xbc: {  	s0 =	sor.u32 s3, s0;
	s1 =	sshll.u32 s1, $0x11  }
0xbd: {  	s0 =	sor.u32 s1, s0  }
0xbe: {  	s0 =	sadd.s32 $0x8F2B, s0  }
0xbf: {  	[sflag:s0] =	ssyncadd.remote.s32 $0x1  }
0xc0: {  	_ =	sfence.sel $0xFFFF  }
0xc1: {  	[dreg:$0x0] =	wrdreg $0xFFFFFFFF;
	(pc) =	sbr.abs _section_cstart, $3  }
0xc2: {  	[dreg:$0x1] =	wrdreg $0xFFFFFFFF  }
0xc3: {  	_ =	task.clear_ibuf [dreg:s8], $0x2FFFF;
	_ =	strace $0x9FFFFFFF  }
0xc4: {  	(tm) =	ssettm $0x7FFFFFFF  }
0xc5: {  	_ =	shalt  }
tec
execute0_lowered:
.L_overlay_start_1:
0x0: {  	(tag) =	ssettag $0x1  }
0x1: {  	s0 =	rddreg [dreg:$0x0]  }
0x2: {  	s2 =	rddreg [dreg:$0x1]  }
0x3: {  	s1 =	srdreg.scid;
	s4 =	rddreg [dreg:$0x2]  }
0x4: {  	s6 =	stileid.u32;
	s3 =	simm.s32 $0x0;
	s29 =	simm.s32 $0x3  }
0x5: {  	s31 =	simm.s32 $0x100;
	s10 =	simm.s32 $0x900;
	s11 =	simm.s32 $0x1100  }
0x6: {  	s12 =	simm.s32 $0x1900;
	s13 =	simm.s32 $0x2100;
	s14 =	simm.s32 $0x2900  }
0x7: {  	s15 =	simm.s32 $0x3100;
	s16 =	simm.s32 $0x3900;
	s17 =	simm.s32 $0x4100  }
0x8: {  	s18 =	simm.s32 $0x4900;
	s19 =	simm.s32 $0x5100;
	s1 =	sand.u32 $0x1, s1  }
0x9: {  	s20 =	simm.s32 $0x5900;
	s21 =	simm.s32 $0x6100;
	s5 =	sshll.u32 s1, $0x4  }
0xa: {  	s9 =	simm.s32 $0x9900;
	s28 =	simm.s32 $0x1;
	s5 =	sor.u32 s6, s5  }
0xb: {  	s30 =	simm.s32 $0xA100;
	[smem:$0x7FF] =	sst s3;
	s6 =	smul.u32 $0x14, s5  }
0xc: {  	s4 =	sadd.s32 $0x1400, s4;
	s1 =	ssub.s32 $0x2, s1;
	s7 =	smul.u32 $0x28000, s5  }
0xd: {  	_ =	strace $0x80000047;
	s8 =	sshrl.u32 s1, $0x1;
	s5 =	smul.u32 $0x5000, s5  }
0xe: {  	s1 =	ssub.s32 s1, s8;
	s8 =	simm.s32 $0x2;
	s0 =	sadd.s32 s0, s6  }
0xf: {  	s22 =	sshrl.u32 s7, $0x3;
	s23 =	sadd.s32 s4, s5;
	s5 =	sadd.s32 $0x200, s2  }
0x10: {  	s7 =	smax.u32 s1, $0x1;
	[dreg:$0x4] =	wrdreg s0;
	s6 =	sadd.s32 s4, s22  }
0x11: {  	[dreg:$0x5] =	wrdreg s23;
	s4 =	sadd.s32 $0x100, s2;
	s24 =	sadd.s32 $0x1400, s6  }
0x12: {  	s0 =	simm.s32 $0x4;
	s25 =	sadd.s32 $0x2800, s6;
	[dreg:$0x6] =	wrdreg s24  }
0x13: {  	v2 =	vlaneseq.u32;
	s22 =	simm.s32 $0x6900;
	s26 =	sadd.s32 $0x3C00, s6;
	[dreg:$0x7] =	wrdreg s25  }
0x14: {  	vm0 =	vmmov $0xffff;
	v1 =	vshrl.u32 v2, $0x3;
	s23 =	simm.s32 $0x7100;
	s6 =	sadd.s32 $0x300, s2;
	[dreg:$0x8] =	wrdreg s26  }
0x15: {  	v0 =	vand.u32 $0x7, v2;
	v2 =	vor.u32 $0x8, v2;
	v1 =	vmul.u32 $0x8, v1;
	s24 =	simm.s32 $0x7900;
	s25 =	simm.s32 $0x8100;
	s26 =	simm.s32 $0x8900  }
.LBB2_1:
0x16: {  	s1 =	rddreg [dreg:$0x4]  }
0x17: {  	[tilespmem:s3], [sflag:$0x5] =	stream.linear.gather [hbm4b:s1+s3], $0xA0, $0x38;
	[tilespmem:$0x14100] =	vst v63  }
0x18: {  	s1 =	simm.s32 $0x5  }
0x19: {  	_ =	swait.ge [sflag:s1], $0xA0  }
0x1a: {  	[sflag:s1] =	ssyncset.done $0x0  }
0x1b: {  	[sflag:s1] =	ssyncadd.s32 $0xFFFFFF60  }
0x1c: {  	v3 =	vld [tilespmem:$0x0];
	_ =	sdelay $0x4  }
0x1d: {  	v4 =	vshll.u32 v3, $0x3  }
0x1e: {  	v3 =	vand.u32 $0x7, v3;
	v4 =	vand.u32 $0xFFFFFFC0, v4  }
0x1f: {  	v3 =	vor.u32 v3, v4  }
0x20: {  	v4 =	vperm.xlane v3, v0;
	_ =	sdelay $0x1  }
0x21: {  	v4 =	vadd.s32 v1, v4;
	_ =	sdelay $0x4  }
0x22: {  	[tilespmem:s31], [sflag:$0x1] =	stream.indirect_vreg.gather [hbm4b:s2+s3], $0x80, v4, vm0, $0xb8;
	[tilespmem:$0x14100] =	vst v63  }
0x23: {  	v3 =	vperm.xlane v3, v2  }
0x24: {  	[tilespmem:s10], [sflag:$0x1] =	stream.indirect_vreg.gather [hbm4b:s4+s3], $0x80, v4, vm0, $0xb8;
	[tilespmem:$0x14100] =	vst v63  }
0x25: {  	v3 =	vadd.s32 v1, v3  }
0x26: {  	[tilespmem:s11], [sflag:$0x1] =	stream.indirect_vreg.gather [hbm4b:s5+s3], $0x80, v4, vm0, $0xb8;
	[tilespmem:$0x14100] =	vst v63  }
0x27: {  	_ = 	snop  }
0x28: {  	[tilespmem:s12], [sflag:$0x1] =	stream.indirect_vreg.gather [hbm4b:s6+s3], $0x80, v4, vm0, $0xb8;
	[tilespmem:$0x14100] =	vst v63  }
0x29: {  	_ = 	snop  }
0x2a: {  	[tilespmem:s13], [sflag:$0x1] =	stream.indirect_vreg.gather [hbm4b:s2+s3], $0x80, v3, vm0, $0xb8;
	[tilespmem:$0x14100] =	vst v63  }
0x2b: {  	_ = 	snop  }
0x2c: {  	[tilespmem:s14], [sflag:$0x1] =	stream.indirect_vreg.gather [hbm4b:s4+s3], $0x80, v3, vm0, $0xb8;
	[tilespmem:$0x14100] =	vst v63  }
0x2d: {  	_ = 	snop  }
0x2e: {  	[tilespmem:s15], [sflag:$0x1] =	stream.indirect_vreg.gather [hbm4b:s5+s3], $0x80, v3, vm0, $0xb8;
	[tilespmem:$0x14100] =	vst v63  }
0x2f: {  	_ = 	snop  }
0x30: {  	[tilespmem:s16], [sflag:$0x1] =	stream.indirect_vreg.gather [hbm4b:s6+s3], $0x80, v3, vm0, $0xb8;
	[tilespmem:$0x14100] =	vst v63  }
0x31: {  	v3 =	vld [tilespmem:$0x10];
	_ =	sdelay $0x4  }
0x32: {  	v53 =	vshll.u32 v3, $0x3  }
0x33: {  	v3 =	vand.u32 $0x7, v3;
	v4 =	vand.u32 $0xFFFFFFC0, v53  }
0x34: {  	v3 =	vor.u32 v3, v4  }
0x35: {  	v4 =	vperm.xlane v3, v0;
	_ =	sdelay $0x1  }
0x36: {  	v4 =	vadd.s32 v1, v4;
	_ =	sdelay $0x4  }
0x37: {  	[tilespmem:s17], [sflag:$0x1] =	stream.indirect_vreg.gather [hbm4b:s2+s3], $0x80, v4, vm0, $0xb8;
	[tilespmem:$0x14100] =	vst v63  }
0x38: {  	v3 =	vperm.xlane v3, v2  }
0x39: {  	[tilespmem:s18], [sflag:$0x1] =	stream.indirect_vreg.gather [hbm4b:s4+s3], $0x80, v4, vm0, $0xb8;
	[tilespmem:$0x14100] =	vst v63  }
0x3a: {  	v3 =	vadd.s32 v1, v3  }
0x3b: {  	[tilespmem:s19], [sflag:$0x1] =	stream.indirect_vreg.gather [hbm4b:s5+s3], $0x80, v4, vm0, $0xb8;
	[tilespmem:$0x14100] =	vst v63  }
0x3c: {  	_ = 	snop  }
0x3d: {  	[tilespmem:s20], [sflag:$0x1] =	stream.indirect_vreg.gather [hbm4b:s6+s3], $0x80, v4, vm0, $0xb8;
	[tilespmem:$0x14100] =	vst v63  }
0x3e: {  	_ = 	snop  }
0x3f: {  	[tilespmem:s21], [sflag:$0x1] =	stream.indirect_vreg.gather [hbm4b:s2+s3], $0x80, v3, vm0, $0xb8;
	[tilespmem:$0x14100] =	vst v63  }
0x40: {  	_ = 	snop  }
0x41: {  	[tilespmem:s22], [sflag:$0x1] =	stream.indirect_vreg.gather [hbm4b:s4+s3], $0x80, v3, vm0, $0xb8;
	[tilespmem:$0x14100] =	vst v63  }
0x42: {  	_ = 	snop  }
0x43: {  	[tilespmem:s23], [sflag:$0x1] =	stream.indirect_vreg.gather [hbm4b:s5+s3], $0x80, v3, vm0, $0xb8;
	[tilespmem:$0x14100] =	vst v63  }
0x44: {  	_ = 	snop  }
0x45: {  	[tilespmem:s24], [sflag:$0x1] =	stream.indirect_vreg.gather [hbm4b:s6+s3], $0x80, v3, vm0, $0xb8;
	[tilespmem:$0x14100] =	vst v63  }
0x46: {  	v3 =	vld.msk [tilespmem:$0x20], $0xff;
	_ =	sdelay $0x4  }
0x47: {  	v54 =	vshll.u32 v3, $0x3  }
0x48: {  	v3 =	vand.u32 $0x7, v3;
	v4 =	vand.u32 $0xFFFFFFC0, v54  }
0x49: {  	v3 =	vor.u32 v3, v4  }
0x4a: {  	v3 =	vperm.xlane v3, v0;
	_ =	sdelay $0x1  }
0x4b: {  	v3 =	vadd.s32 v1, v3;
	_ =	sdelay $0x4  }
0x4c: {  	[tilespmem:s25], [sflag:$0x1] =	stream.indirect_vreg.gather [hbm4b:s2+s3], $0x80, v3, vm0, $0xb8;
	[tilespmem:$0x14100] =	vst v63  }
0x4d: {  	_ = 	snop  }
0x4e: {  	[tilespmem:s26], [sflag:$0x1] =	stream.indirect_vreg.gather [hbm4b:s4+s3], $0x80, v3, vm0, $0xb8;
	[tilespmem:$0x14100] =	vst v63  }
0x4f: {  	s1 =	simm.s32 $0x9100  }
0x50: {  	[tilespmem:s1], [sflag:$0x1] =	stream.indirect_vreg.gather [hbm4b:s5+s3], $0x80, v3, vm0, $0xb8;
	[tilespmem:$0x14100] =	vst v63  }
0x51: {  	_ = 	snop  }
0x52: {  	[tilespmem:s9], [sflag:$0x1] =	stream.indirect_vreg.gather [hbm4b:s6+s3], $0x80, v3, vm0, $0xb8;
	[tilespmem:$0x14100] =	vst v63  }
0x53: {  	_ =	swait.ge [sflag:s28], $0xA000  }
0x54: {  	[sflag:s28] =	ssyncset.done $0x0  }
0x55: {  	s1 =	rddreg [dreg:$0x5];
	[sflag:s28] =	ssyncadd.s32 $0xFFFF6000  }
0x56: {  	[hbm4b:s1+s3] =	stream.linear.scatter [tilespmem:s31], [sflag:$0x3], $0xA000, $0x38;
	[tilespmem:$0x14100] =	vst v63  }
0x57: {  	v3 =	vld [tilespmem:$0x28];
	_ =	sdelay $0x4  }
0x58: {  	v55 =	vshll.u32 v3, $0x3  }
0x59: {  	v3 =	vand.u32 $0x7, v3;
	v4 =	vand.u32 $0xFFFFFFC0, v55  }
0x5a: {  	v3 =	vor.u32 v3, v4  }
0x5b: {  	v4 =	vperm.xlane v3, v0;
	_ =	sdelay $0x1  }
0x5c: {  	v4 =	vadd.s32 v1, v4;
	_ =	sdelay $0x4  }
0x5d: {  	[tilespmem:s30], [sflag:$0x2] =	stream.indirect_vreg.gather [hbm4b:s2+s3], $0x80, v4, vm0, $0xb8;
	[tilespmem:$0x14100] =	vst v63  }
0x5e: {  	s1 =	simm.s32 $0xA900;
	v3 =	vperm.xlane v3, v2  }
0x5f: {  	[tilespmem:s1], [sflag:$0x2] =	stream.indirect_vreg.gather [hbm4b:s4+s3], $0x80, v4, vm0, $0xb8;
	[tilespmem:$0x14100] =	vst v63  }
0x60: {  	v3 =	vadd.s32 v1, v3;
	s1 =	simm.s32 $0xB100  }
0x61: {  	[tilespmem:s1], [sflag:$0x2] =	stream.indirect_vreg.gather [hbm4b:s5+s3], $0x80, v4, vm0, $0xb8;
	[tilespmem:$0x14100] =	vst v63  }
0x62: {  	s1 =	simm.s32 $0xB900  }
0x63: {  	[tilespmem:s1], [sflag:$0x2] =	stream.indirect_vreg.gather [hbm4b:s6+s3], $0x80, v4, vm0, $0xb8;
	[tilespmem:$0x14100] =	vst v63  }
0x64: {  	s1 =	simm.s32 $0xC100  }
0x65: {  	[tilespmem:s1], [sflag:$0x2] =	stream.indirect_vreg.gather [hbm4b:s2+s3], $0x80, v3, vm0, $0xb8;
	[tilespmem:$0x14100] =	vst v63  }
0x66: {  	s1 =	simm.s32 $0xC900  }
0x67: {  	[tilespmem:s1], [sflag:$0x2] =	stream.indirect_vreg.gather [hbm4b:s4+s3], $0x80, v3, vm0, $0xb8;
	[tilespmem:$0x14100] =	vst v63  }
0x68: {  	s1 =	simm.s32 $0xD100  }
0x69: {  	[tilespmem:s1], [sflag:$0x2] =	stream.indirect_vreg.gather [hbm4b:s5+s3], $0x80, v3, vm0, $0xb8;
	[tilespmem:$0x14100] =	vst v63  }
0x6a: {  	s1 =	simm.s32 $0xD900  }
0x6b: {  	[tilespmem:s1], [sflag:$0x2] =	stream.indirect_vreg.gather [hbm4b:s6+s3], $0x80, v3, vm0, $0xb8;
	[tilespmem:$0x14100] =	vst v63  }
0x6c: {  	v3 =	vld [tilespmem:$0x38];
	_ =	sdelay $0x4  }
0x6d: {  	v56 =	vshll.u32 v3, $0x3  }
0x6e: {  	v3 =	vand.u32 $0x7, v3;
	v4 =	vand.u32 $0xFFFFFFC0, v56  }
0x6f: {  	v3 =	vor.u32 v3, v4  }
0x70: {  	v4 =	vperm.xlane v3, v0;
	_ =	sdelay $0x1  }
0x71: {  	v4 =	vadd.s32 v1, v4;
	_ =	sdelay $0x3  }
0x72: {  	s1 =	simm.s32 $0xE100  }
0x73: {  	[tilespmem:s1], [sflag:$0x2] =	stream.indirect_vreg.gather [hbm4b:s2+s3], $0x80, v4, vm0, $0xb8;
	[tilespmem:$0x14100] =	vst v63  }
0x74: {  	v3 =	vperm.xlane v3, v2;
	s1 =	simm.s32 $0xE900  }
0x75: {  	[tilespmem:s1], [sflag:$0x2] =	stream.indirect_vreg.gather [hbm4b:s4+s3], $0x80, v4, vm0, $0xb8;
	[tilespmem:$0x14100] =	vst v63  }
0x76: {  	v3 =	vadd.s32 v1, v3;
	s1 =	simm.s32 $0xF100  }
0x77: {  	[tilespmem:s1], [sflag:$0x2] =	stream.indirect_vreg.gather [hbm4b:s5+s3], $0x80, v4, vm0, $0xb8;
	[tilespmem:$0x14100] =	vst v63  }
0x78: {  	s1 =	simm.s32 $0xF900  }
0x79: {  	[tilespmem:s1], [sflag:$0x2] =	stream.indirect_vreg.gather [hbm4b:s6+s3], $0x80, v4, vm0, $0xb8;
	[tilespmem:$0x14100] =	vst v63  }
0x7a: {  	s1 =	simm.s32 $0x10100  }
0x7b: {  	[tilespmem:s1], [sflag:$0x2] =	stream.indirect_vreg.gather [hbm4b:s2+s3], $0x80, v3, vm0, $0xb8;
	[tilespmem:$0x14100] =	vst v63  }
0x7c: {  	s1 =	simm.s32 $0x10900  }
0x7d: {  	[tilespmem:s1], [sflag:$0x2] =	stream.indirect_vreg.gather [hbm4b:s4+s3], $0x80, v3, vm0, $0xb8;
	[tilespmem:$0x14100] =	vst v63  }
0x7e: {  	s1 =	simm.s32 $0x11100  }
0x7f: {  	[tilespmem:s1], [sflag:$0x2] =	stream.indirect_vreg.gather [hbm4b:s5+s3], $0x80, v3, vm0, $0xb8;
	[tilespmem:$0x14100] =	vst v63  }
0x80: {  	s1 =	simm.s32 $0x11900  }
0x81: {  	[tilespmem:s1], [sflag:$0x2] =	stream.indirect_vreg.gather [hbm4b:s6+s3], $0x80, v3, vm0, $0xb8;
	[tilespmem:$0x14100] =	vst v63  }
0x82: {  	v3 =	vld.msk [tilespmem:$0x48], $0xff;
	_ =	sdelay $0x4  }
0x83: {  	v57 =	vshll.u32 v3, $0x3  }
0x84: {  	v3 =	vand.u32 $0x7, v3;
	v4 =	vand.u32 $0xFFFFFFC0, v57  }
0x85: {  	v3 =	vor.u32 v3, v4  }
0x86: {  	v3 =	vperm.xlane v3, v0;
	_ =	sdelay $0x1  }
0x87: {  	v3 =	vadd.s32 v1, v3;
	_ =	sdelay $0x3  }
0x88: {  	s1 =	simm.s32 $0x12100  }
0x89: {  	[tilespmem:s1], [sflag:$0x2] =	stream.indirect_vreg.gather [hbm4b:s2+s3], $0x80, v3, vm0, $0xb8;
	[tilespmem:$0x14100] =	vst v63  }
0x8a: {  	s1 =	simm.s32 $0x12900  }
0x8b: {  	[tilespmem:s1], [sflag:$0x2] =	stream.indirect_vreg.gather [hbm4b:s4+s3], $0x80, v3, vm0, $0xb8;
	[tilespmem:$0x14100] =	vst v63  }
0x8c: {  	s1 =	simm.s32 $0x13100  }
0x8d: {  	[tilespmem:s1], [sflag:$0x2] =	stream.indirect_vreg.gather [hbm4b:s5+s3], $0x80, v3, vm0, $0xb8;
	[tilespmem:$0x14100] =	vst v63  }
0x8e: {  	s1 =	simm.s32 $0x13900  }
0x8f: {  	[tilespmem:s1], [sflag:$0x2] =	stream.indirect_vreg.gather [hbm4b:s6+s3], $0x80, v3, vm0, $0xb8;
	[tilespmem:$0x14100] =	vst v63  }
0x90: {  	_ =	swait.ge [sflag:s8], $0xA000  }
0x91: {  	[sflag:s8] =	ssyncset.done $0x0  }
0x92: {  	s1 =	rddreg [dreg:$0x6];
	[sflag:s8] =	ssyncadd.s32 $0xFFFF6000  }
0x93: {  	[hbm4b:s1+s3] =	stream.linear.scatter [tilespmem:s30], [sflag:$0x4], $0xA000, $0x38;
	[tilespmem:$0x14100] =	vst v63  }
0x94: {  	_ =	swait.ge [sflag:s29], $0xA000  }
0x95: {  	[sflag:s29] =	ssyncset.done $0x0  }
0x96: {  	[sflag:s29] =	ssyncadd.s32 $0xFFFF6000  }
0x97: {  	v3 =	vld [tilespmem:$0x50];
	_ =	sdelay $0x4  }
0x98: {  	v58 =	vshll.u32 v3, $0x3  }
0x99: {  	v3 =	vand.u32 $0x7, v3;
	v4 =	vand.u32 $0xFFFFFFC0, v58  }
0x9a: {  	v3 =	vor.u32 v3, v4  }
0x9b: {  	v4 =	vperm.xlane v3, v0;
	_ =	sdelay $0x1  }
0x9c: {  	v4 =	vadd.s32 v1, v4;
	_ =	sdelay $0x4  }
0x9d: {  	[tilespmem:s31], [sflag:$0x1] =	stream.indirect_vreg.gather [hbm4b:s2+s3], $0x80, v4, vm0, $0xb8;
	[tilespmem:$0x14100] =	vst v63  }
0x9e: {  	v3 =	vperm.xlane v3, v2  }
0x9f: {  	[tilespmem:s10], [sflag:$0x1] =	stream.indirect_vreg.gather [hbm4b:s4+s3], $0x80, v4, vm0, $0xb8;
	[tilespmem:$0x14100] =	vst v63  }
0xa0: {  	v3 =	vadd.s32 v1, v3  }
0xa1: {  	[tilespmem:s11], [sflag:$0x1] =	stream.indirect_vreg.gather [hbm4b:s5+s3], $0x80, v4, vm0, $0xb8;
	[tilespmem:$0x14100] =	vst v63  }
0xa2: {  	_ = 	snop  }
0xa3: {  	[tilespmem:s12], [sflag:$0x1] =	stream.indirect_vreg.gather [hbm4b:s6+s3], $0x80, v4, vm0, $0xb8;
	[tilespmem:$0x14100] =	vst v63  }
0xa4: {  	_ = 	snop  }
0xa5: {  	[tilespmem:s13], [sflag:$0x1] =	stream.indirect_vreg.gather [hbm4b:s2+s3], $0x80, v3, vm0, $0xb8;
	[tilespmem:$0x14100] =	vst v63  }
0xa6: {  	_ = 	snop  }
0xa7: {  	[tilespmem:s14], [sflag:$0x1] =	stream.indirect_vreg.gather [hbm4b:s4+s3], $0x80, v3, vm0, $0xb8;
	[tilespmem:$0x14100] =	vst v63  }
0xa8: {  	_ = 	snop  }
0xa9: {  	[tilespmem:s15], [sflag:$0x1] =	stream.indirect_vreg.gather [hbm4b:s5+s3], $0x80, v3, vm0, $0xb8;
	[tilespmem:$0x14100] =	vst v63  }
0xaa: {  	_ = 	snop  }
0xab: {  	[tilespmem:s16], [sflag:$0x1] =	stream.indirect_vreg.gather [hbm4b:s6+s3], $0x80, v3, vm0, $0xb8;
	[tilespmem:$0x14100] =	vst v63  }
0xac: {  	v3 =	vld [tilespmem:$0x60];
	_ =	sdelay $0x4  }
0xad: {  	v59 =	vshll.u32 v3, $0x3  }
0xae: {  	v3 =	vand.u32 $0x7, v3;
	v4 =	vand.u32 $0xFFFFFFC0, v59  }
0xaf: {  	v3 =	vor.u32 v3, v4  }
0xb0: {  	v4 =	vperm.xlane v3, v0;
	_ =	sdelay $0x1  }
0xb1: {  	v4 =	vadd.s32 v1, v4;
	_ =	sdelay $0x4  }
0xb2: {  	[tilespmem:s17], [sflag:$0x1] =	stream.indirect_vreg.gather [hbm4b:s2+s3], $0x80, v4, vm0, $0xb8;
	[tilespmem:$0x14100] =	vst v63  }
0xb3: {  	v3 =	vperm.xlane v3, v2  }
0xb4: {  	[tilespmem:s18], [sflag:$0x1] =	stream.indirect_vreg.gather [hbm4b:s4+s3], $0x80, v4, vm0, $0xb8;
	[tilespmem:$0x14100] =	vst v63  }
0xb5: {  	v3 =	vadd.s32 v1, v3  }
0xb6: {  	[tilespmem:s19], [sflag:$0x1] =	stream.indirect_vreg.gather [hbm4b:s5+s3], $0x80, v4, vm0, $0xb8;
	[tilespmem:$0x14100] =	vst v63  }
0xb7: {  	_ = 	snop  }
0xb8: {  	[tilespmem:s20], [sflag:$0x1] =	stream.indirect_vreg.gather [hbm4b:s6+s3], $0x80, v4, vm0, $0xb8;
	[tilespmem:$0x14100] =	vst v63  }
0xb9: {  	_ = 	snop  }
0xba: {  	[tilespmem:s21], [sflag:$0x1] =	stream.indirect_vreg.gather [hbm4b:s2+s3], $0x80, v3, vm0, $0xb8;
	[tilespmem:$0x14100] =	vst v63  }
0xbb: {  	_ = 	snop  }
0xbc: {  	[tilespmem:s22], [sflag:$0x1] =	stream.indirect_vreg.gather [hbm4b:s4+s3], $0x80, v3, vm0, $0xb8;
	[tilespmem:$0x14100] =	vst v63  }
0xbd: {  	_ = 	snop  }
0xbe: {  	[tilespmem:s23], [sflag:$0x1] =	stream.indirect_vreg.gather [hbm4b:s5+s3], $0x80, v3, vm0, $0xb8;
	[tilespmem:$0x14100] =	vst v63  }
0xbf: {  	_ = 	snop  }
0xc0: {  	[tilespmem:s24], [sflag:$0x1] =	stream.indirect_vreg.gather [hbm4b:s6+s3], $0x80, v3, vm0, $0xb8;
	[tilespmem:$0x14100] =	vst v63  }
0xc1: {  	v3 =	vld.msk [tilespmem:$0x70], $0xff;
	_ =	sdelay $0x4  }
0xc2: {  	v60 =	vshll.u32 v3, $0x3  }
0xc3: {  	v3 =	vand.u32 $0x7, v3;
	v4 =	vand.u32 $0xFFFFFFC0, v60  }
0xc4: {  	v3 =	vor.u32 v3, v4  }
0xc5: {  	v3 =	vperm.xlane v3, v0;
	_ =	sdelay $0x1  }
0xc6: {  	v3 =	vadd.s32 v1, v3;
	_ =	sdelay $0x4  }
0xc7: {  	[tilespmem:s25], [sflag:$0x1] =	stream.indirect_vreg.gather [hbm4b:s2+s3], $0x80, v3, vm0, $0xb8;
	[tilespmem:$0x14100] =	vst v63  }
0xc8: {  	_ = 	snop  }
0xc9: {  	[tilespmem:s26], [sflag:$0x1] =	stream.indirect_vreg.gather [hbm4b:s4+s3], $0x80, v3, vm0, $0xb8;
	[tilespmem:$0x14100] =	vst v63  }
0xca: {  	s1 =	simm.s32 $0x9100  }
0xcb: {  	[tilespmem:s1], [sflag:$0x1] =	stream.indirect_vreg.gather [hbm4b:s5+s3], $0x80, v3, vm0, $0xb8;
	[tilespmem:$0x14100] =	vst v63  }
0xcc: {  	_ = 	snop  }
0xcd: {  	[tilespmem:s9], [sflag:$0x1] =	stream.indirect_vreg.gather [hbm4b:s6+s3], $0x80, v3, vm0, $0xb8;
	[tilespmem:$0x14100] =	vst v63  }
0xce: {  	_ =	swait.ge [sflag:s28], $0xA000  }
0xcf: {  	[sflag:s28] =	ssyncset.done $0x0  }
0xd0: {  	s1 =	rddreg [dreg:$0x7];
	[sflag:s28] =	ssyncadd.s32 $0xFFFF6000  }
0xd1: {  	[hbm4b:s1+s3] =	stream.linear.scatter [tilespmem:s31], [sflag:$0x3], $0xA000, $0x38;
	[tilespmem:$0x14100] =	vst v63  }
0xd2: {  	_ =	swait.ge [sflag:s0], $0xA000  }
0xd3: {  	[sflag:s0] =	ssyncset.done $0x0  }
0xd4: {  	[sflag:s0] =	ssyncadd.s32 $0xFFFF6000  }
0xd5: {  	v3 =	vld [tilespmem:$0x78];
	_ =	sdelay $0x4  }
0xd6: {  	v61 =	vshll.u32 v3, $0x3  }
0xd7: {  	v3 =	vand.u32 $0x7, v3;
	v4 =	vand.u32 $0xFFFFFFC0, v61  }
0xd8: {  	v3 =	vor.u32 v3, v4  }
0xd9: {  	v4 =	vperm.xlane v3, v0;
	_ =	sdelay $0x1  }
0xda: {  	v4 =	vadd.s32 v1, v4;
	_ =	sdelay $0x4  }
0xdb: {  	[tilespmem:s30], [sflag:$0x2] =	stream.indirect_vreg.gather [hbm4b:s2+s3], $0x80, v4, vm0, $0xb8;
	[tilespmem:$0x14100] =	vst v63  }
0xdc: {  	s1 =	simm.s32 $0xA900;
	v3 =	vperm.xlane v3, v2  }
0xdd: {  	[tilespmem:s1], [sflag:$0x2] =	stream.indirect_vreg.gather [hbm4b:s4+s3], $0x80, v4, vm0, $0xb8;
	[tilespmem:$0x14100] =	vst v63  }
0xde: {  	v3 =	vadd.s32 v1, v3;
	s1 =	simm.s32 $0xB100  }
0xdf: {  	[tilespmem:s1], [sflag:$0x2] =	stream.indirect_vreg.gather [hbm4b:s5+s3], $0x80, v4, vm0, $0xb8;
	[tilespmem:$0x14100] =	vst v63  }
0xe0: {  	s1 =	simm.s32 $0xB900  }
0xe1: {  	[tilespmem:s1], [sflag:$0x2] =	stream.indirect_vreg.gather [hbm4b:s6+s3], $0x80, v4, vm0, $0xb8;
	[tilespmem:$0x14100] =	vst v63  }
0xe2: {  	s1 =	simm.s32 $0xC100  }
0xe3: {  	[tilespmem:s1], [sflag:$0x2] =	stream.indirect_vreg.gather [hbm4b:s2+s3], $0x80, v3, vm0, $0xb8;
	[tilespmem:$0x14100] =	vst v63  }
0xe4: {  	s1 =	simm.s32 $0xC900  }
0xe5: {  	[tilespmem:s1], [sflag:$0x2] =	stream.indirect_vreg.gather [hbm4b:s4+s3], $0x80, v3, vm0, $0xb8;
	[tilespmem:$0x14100] =	vst v63  }
0xe6: {  	s1 =	simm.s32 $0xD100  }
0xe7: {  	[tilespmem:s1], [sflag:$0x2] =	stream.indirect_vreg.gather [hbm4b:s5+s3], $0x80, v3, vm0, $0xb8;
	[tilespmem:$0x14100] =	vst v63  }
0xe8: {  	s1 =	simm.s32 $0xD900  }
0xe9: {  	[tilespmem:s1], [sflag:$0x2] =	stream.indirect_vreg.gather [hbm4b:s6+s3], $0x80, v3, vm0, $0xb8;
	[tilespmem:$0x14100] =	vst v63  }
0xea: {  	v3 =	vld [tilespmem:$0x88];
	_ =	sdelay $0x4  }
0xeb: {  	v62 =	vshll.u32 v3, $0x3  }
0xec: {  	v3 =	vand.u32 $0x7, v3;
	v4 =	vand.u32 $0xFFFFFFC0, v62  }
0xed: {  	v3 =	vor.u32 v3, v4  }
0xee: {  	v4 =	vperm.xlane v3, v0;
	_ =	sdelay $0x1  }
0xef: {  	v4 =	vadd.s32 v1, v4;
	_ =	sdelay $0x3  }
0xf0: {  	s1 =	simm.s32 $0xE100  }
0xf1: {  	[tilespmem:s1], [sflag:$0x2] =	stream.indirect_vreg.gather [hbm4b:s2+s3], $0x80, v4, vm0, $0xb8;
	[tilespmem:$0x14100] =	vst v63  }
0xf2: {  	v3 =	vperm.xlane v3, v2;
	s1 =	simm.s32 $0xE900  }
0xf3: {  	[tilespmem:s1], [sflag:$0x2] =	stream.indirect_vreg.gather [hbm4b:s4+s3], $0x80, v4, vm0, $0xb8;
	[tilespmem:$0x14100] =	vst v63  }
0xf4: {  	v3 =	vadd.s32 v1, v3;
	s1 =	simm.s32 $0xF100  }
0xf5: {  	[tilespmem:s1], [sflag:$0x2] =	stream.indirect_vreg.gather [hbm4b:s5+s3], $0x80, v4, vm0, $0xb8;
	[tilespmem:$0x14100] =	vst v63  }
0xf6: {  	s1 =	simm.s32 $0xF900  }
0xf7: {  	[tilespmem:s1], [sflag:$0x2] =	stream.indirect_vreg.gather [hbm4b:s6+s3], $0x80, v4, vm0, $0xb8;
	[tilespmem:$0x14100] =	vst v63  }
0xf8: {  	s1 =	simm.s32 $0x10100  }
0xf9: {  	[tilespmem:s1], [sflag:$0x2] =	stream.indirect_vreg.gather [hbm4b:s2+s3], $0x80, v3, vm0, $0xb8;
	[tilespmem:$0x14100] =	vst v63  }
0xfa: {  	s1 =	simm.s32 $0x10900  }
0xfb: {  	[tilespmem:s1], [sflag:$0x2] =	stream.indirect_vreg.gather [hbm4b:s4+s3], $0x80, v3, vm0, $0xb8;
	[tilespmem:$0x14100] =	vst v63  }
0xfc: {  	s1 =	simm.s32 $0x11100  }
0xfd: {  	[tilespmem:s1], [sflag:$0x2] =	stream.indirect_vreg.gather [hbm4b:s5+s3], $0x80, v3, vm0, $0xb8;
	[tilespmem:$0x14100] =	vst v63  }
0xfe: {  	s1 =	simm.s32 $0x11900  }
0xff: {  	[tilespmem:s1], [sflag:$0x2] =	stream.indirect_vreg.gather [hbm4b:s6+s3], $0x80, v3, vm0, $0xb8;
	[tilespmem:$0x14100] =	vst v63  }
0x100: {  	v3 =	vld.msk [tilespmem:$0x98], $0xff;
	_ =	sdelay $0x4  }
0x101: {  	v63 =	vshll.u32 v3, $0x3  }
0x102: {  	v3 =	vand.u32 $0x7, v3;
	v4 =	vand.u32 $0xFFFFFFC0, v63  }
0x103: {  	v3 =	vor.u32 v3, v4  }
0x104: {  	v3 =	vperm.xlane v3, v0;
	_ =	sdelay $0x1  }
0x105: {  	v3 =	vadd.s32 v1, v3;
	_ =	sdelay $0x3  }
0x106: {  	s1 =	simm.s32 $0x12100  }
0x107: {  	[tilespmem:s1], [sflag:$0x2] =	stream.indirect_vreg.gather [hbm4b:s2+s3], $0x80, v3, vm0, $0xb8;
	[tilespmem:$0x14100] =	vst v63  }
0x108: {  	s1 =	simm.s32 $0x12900  }
0x109: {  	[tilespmem:s1], [sflag:$0x2] =	stream.indirect_vreg.gather [hbm4b:s4+s3], $0x80, v3, vm0, $0xb8;
	[tilespmem:$0x14100] =	vst v63  }
0x10a: {  	s1 =	simm.s32 $0x13100  }
0x10b: {  	[tilespmem:s1], [sflag:$0x2] =	stream.indirect_vreg.gather [hbm4b:s5+s3], $0x80, v3, vm0, $0xb8;
	[tilespmem:$0x14100] =	vst v63  }
0x10c: {  	s1 =	simm.s32 $0x13900  }
0x10d: {  	[tilespmem:s1], [sflag:$0x2] =	stream.indirect_vreg.gather [hbm4b:s6+s3], $0x80, v3, vm0, $0xb8;
	[tilespmem:$0x14100] =	vst v63  }
0x10e: {  	_ =	swait.ge [sflag:s8], $0xA000  }
0x10f: {  	[sflag:s8] =	ssyncset.done $0x0  }
0x110: {  	s1 =	rddreg [dreg:$0x8];
	[sflag:s8] =	ssyncadd.s32 $0xFFFF6000  }
0x111: {  	[hbm4b:s1+s3] =	stream.linear.scatter [tilespmem:s30], [sflag:$0x4], $0xA000, $0x38;
	[tilespmem:$0x14100] =	vst v63  }
0x112: {  	p0 =	sne.s32 s7, $0x1;
	_ =	swait.ge [sflag:s29], $0xA000  }
.Ltmp0:
0x113: {  	[sflag:s29] =	ssyncset.done $0x0;
	(pc) =	sbr.rel @p0 .LBB2_1-.Ltmp0, $4  }
0x114: {  	[sflag:s29] =	ssyncadd.s32 $0xFFFF6000  }
0x115: {  	_ =	swait.ge [sflag:s0], $0xA000  }
0x116: {  	[sflag:s0] =	ssyncset.done $0x0  }
0x117: {  	s7 =	sadd.s32 $0xFFFFFFFF, s7;
	[sflag:s0] =	ssyncadd.s32 $0xFFFF6000  }
0x118: {  	_ =	sfence.sel $0x180000  }
0x119: {  	[bflag:$0x0] =	sbarrier.arrive $0xFFFF  }
0x11a: {  	_ =	strace $0x90000047  }
0x11b: {  	s0 =	stileid.u32;
	[bflag:$0x2] =	sbarrier.arrive $0xFFFF  }
0x11c: {  	p0 =	sne.s32 s0, $0x0;
	s0 =	rddreg [dreg:$0x3]  }
0x11d: {  	s0 =	sadd.s32 @!p0 $0x100000, s0  }
0x11e: {  	[sflag:s0] =	ssyncadd.tile.s32 @!p0 $0x1;
	_ =	shalt  }
.Lfunc_end2:
_tile_overlayer_lowered:
.L_overlay_start_2:
0x11f: {  	(tag) =	ssettag $0x2  }
0x120: {  	s0 =	rddreg [dreg:$0x0];
	s2 =	stileid.u32  }
0x121: {  	s1 =	rddreg [dreg:$0x1];
	p0 =	sne.s32 s2, $0x0  }
0x122: {  	s3 =	rddreg [dreg:$0x2];
	[bflag:$0x3] =	sbarrier.arrive $0xFFFF;
	s2 =	simm.s32 @!p0 $0x1C05  }
0x123: {  	[timem:s3], [sflag:s2] =	dma.local @!p0 [hbm:s0], s1  }
0x124: {  	s0 =	simm.s32 @!p0 $0x5  }
0x125: {  	_ =	swait.ge @!p0 [sflag:s0], s1  }
0x126: {  	s1 =	ssub.s32 @!p0 $0x0, s1;
	[sflag:s0] =	ssyncset.done @!p0 $0x0  }
0x127: {  	[sflag:s0] =	ssyncadd.s32 @!p0 s1  }
0x128: {  	[bflag:$0x3] =	sbarrier.arrive $0xFFFF  }
0x129: {  	_ =	shalt  }

</sc_bundles>
